<compile_context>
chip_gen: v7x
topology: tpu7x:2x2x1
jax: 0.10.2.dev20260603
libtpu: 0.0.44.dev20260713+nightly
codegen_flags: <defaults>
</compile_context>

<pallas_src>
import functools

import jax
import jax.numpy as jnp
from jax import lax
from jax.experimental import pallas as pl
from jax.experimental.pallas import tpu as pltpu
from jax.experimental.pallas import tpu_sc as plsc

_N_NODES = 10000
_ROWS = 10000
_D = 128
_CL = 16
_E = 320000
_TILES = 16
_EPT = _E // _TILES
_W = 128
_NFULL = _EPT // _W
_REM = _EPT - _NFULL * _W
_RPT = _ROWS // _TILES


def _accumulate(idx_hbm, ea_hbm, acc_f, acc_c,
                idx_a, row_a, idx_b, row_b, ones_v, idx_r, row_r, ones_r,
                gsa, gsb, ssa, ssb, tile):
    base = tile * _EPT

    def issue_gather(w, idxv, rowv, sem):
        e0 = pl.multiple_of(base + w * _W, 8)
        pltpu.async_copy(idx_hbm.at[pl.ds(e0, _W)], idxv, sem)
        pltpu.async_copy(ea_hbm.at[pl.ds(e0, _W)], rowv, sem)

    def wait_gather(idxv, rowv, sem):
        pltpu.make_async_copy(idx_hbm.at[pl.ds(0, _W)], idxv, sem).wait()
        pltpu.make_async_copy(ea_hbm.at[pl.ds(0, _W)], rowv, sem).wait()

    def issue_scatter(idxv, rowv, sem):
        pltpu.async_copy(rowv, acc_f.at[idxv], sem, add=True)
        pltpu.async_copy(ones_v, acc_c.at[idxv], sem, add=True)

    def wait_scatter(idxv, rowv, sem):
        pltpu.make_async_copy(rowv, acc_f.at[idxv], sem).wait()
        pltpu.make_async_copy(ones_v, acc_c.at[idxv], sem).wait()

    issue_gather(0, idx_a, row_a, gsa)
    issue_gather(1, idx_b, row_b, gsb)

    def body(i, _):
        w = 2 * i
        wait_gather(idx_a, row_a, gsa)
        issue_scatter(idx_a, row_a, ssa)

        @pl.when(i > 0)
        def _():
            wait_scatter(idx_b, row_b, ssb)
            issue_gather(w + 1, idx_b, row_b, gsb)

        wait_gather(idx_b, row_b, gsb)
        issue_scatter(idx_b, row_b, ssb)
        wait_scatter(idx_a, row_a, ssa)

        @pl.when(w + 2 < _NFULL)
        def _():
            issue_gather(w + 2, idx_a, row_a, gsa)

        return 0

    lax.fori_loop(0, _NFULL // 2, body, 0)
    e0 = base + _NFULL * _W
    pltpu.async_copy(idx_hbm.at[pl.ds(e0, _REM)], idx_r, gsa)
    pltpu.async_copy(ea_hbm.at[pl.ds(e0, _REM)], row_r, gsa)
    wait_scatter(idx_b, row_b, ssb)
    pltpu.make_async_copy(idx_hbm.at[pl.ds(0, _REM)], idx_r, gsa).wait()
    pltpu.make_async_copy(ea_hbm.at[pl.ds(0, _REM)], row_r, gsa).wait()
    pltpu.sync_copy(row_r, acc_f.at[idx_r], add=True)
    pltpu.sync_copy(ones_r, acc_c.at[idx_r], add=True)


def _sc_pool_body(ea1, idx1, ea2, idx2, zf, zc, ones2d,
                  s1, c1, s2, c2,
                  acc_f, acc_c, idx_a, row_a, idx_b, row_b,
                  ones_v, idx_r, row_r, ones_r, gsa, gsb, ssa, ssb):
    c = lax.axis_index("c")
    s = lax.axis_index("s")
    rows = pl.ds(s * _RPT, _RPT)
    pltpu.sync_copy(zf.at[rows], acc_f.at[rows])
    pltpu.sync_copy(zc.at[rows], acc_c.at[rows])
    pltpu.sync_copy(ones2d, ones_v)
    pltpu.sync_copy(ones2d.at[pl.ds(0, _REM)], ones_r)
    plsc.subcore_barrier()

    @pl.when(c == 0)
    def _():
        _accumulate(idx1, ea1, acc_f, acc_c,
                    idx_a, row_a, idx_b, row_b, ones_v, idx_r, row_r, ones_r,
                    gsa, gsb, ssa, ssb, s)

    @pl.when(c == 1)
    def _():
        _accumulate(idx2, ea2, acc_f, acc_c,
                    idx_a, row_a, idx_b, row_b, ones_v, idx_r, row_r, ones_r,
                    gsa, gsb, ssa, ssb, s)

    plsc.subcore_barrier()

    @pl.when(c == 0)
    def _():
        pltpu.sync_copy(acc_f.at[rows], s1.at[rows])
        pltpu.sync_copy(acc_c.at[rows], c1.at[rows])

    @pl.when(c == 1)
    def _():
        pltpu.sync_copy(acc_f.at[rows], s2.at[rows])
        pltpu.sync_copy(acc_c.at[rows], c2.at[rows])


_F32 = jnp.float32


@functools.lru_cache(maxsize=1)
def _make_sc_pool():
    return functools.partial(
        pl.kernel,
        out_type=(
            jax.ShapeDtypeStruct((_ROWS, _D), _F32),
            jax.ShapeDtypeStruct((_ROWS, _CL), _F32),
            jax.ShapeDtypeStruct((_ROWS, _D), _F32),
            jax.ShapeDtypeStruct((_ROWS, _CL), _F32),
        ),
        mesh=plsc.VectorSubcoreMesh(core_axis_name="c",
                                    subcore_axis_name="s"),
        compiler_params=pltpu.CompilerParams(use_tc_tiling_on_sc=False),
        scratch_types=(
            pltpu.VMEM_SHARED((_ROWS, _D), _F32),
            pltpu.VMEM_SHARED((_ROWS, _CL), _F32),
            pltpu.VMEM((_W,), jnp.int32),
            pltpu.VMEM((_W, _D), _F32),
            pltpu.VMEM((_W,), jnp.int32),
            pltpu.VMEM((_W, _D), _F32),
            pltpu.VMEM((_W, _CL), _F32),
            pltpu.VMEM((_REM,), jnp.int32),
            pltpu.VMEM((_REM, _D), _F32),
            pltpu.VMEM((_REM, _CL), _F32),
            pltpu.SemaphoreType.DMA,
            pltpu.SemaphoreType.DMA,
            pltpu.SemaphoreType.DMA,
            pltpu.SemaphoreType.DMA,
        ),
    )(_sc_pool_body)


_BR = 1000


def _combine_body(s1, c1, s2, c2, o):
    n1 = jnp.maximum(c1[:, 0:1], 1.0)
    n2 = jnp.maximum(c2[:, 0:1], 1.0)
    o[...] = s1[...] / n1 + s2[...] / n2


def _combine(s1, c1, s2, c2):
    return pl.pallas_call(
        _combine_body,
        grid=(_N_NODES // _BR,),
        in_specs=[
            pl.BlockSpec((_BR, _D), lambda i: (i, 0)),
            pl.BlockSpec((_BR, _CL), lambda i: (i, 0)),
            pl.BlockSpec((_BR, _D), lambda i: (i, 0)),
            pl.BlockSpec((_BR, _CL), lambda i: (i, 0)),
        ],
        out_specs=pl.BlockSpec((_BR, _D), lambda i: (i, 0)),
        out_shape=jax.ShapeDtypeStruct((_N_NODES, _D), _F32),
    )(s1, c1, s2, c2)


def kernel(edge_attr, edge_attr2, edge_index, edge_index2, num_nodes):
    del num_nodes
    idx1 = edge_index[0].astype(jnp.int32)
    idx2 = edge_index2[0].astype(jnp.int32)
    zf = jnp.zeros((_ROWS, _D), _F32)
    zc = jnp.zeros((_ROWS, _CL), _F32)
    ones2d = jnp.ones((_W, _CL), _F32)
    s1, c1, s2, c2 = _make_sc_pool()(edge_attr, idx1, edge_attr2, idx2,
                                     zf, zc, ones2d)
    return _combine(s1, c1, s2, c2)

# --- scband reference (transcript-rebuilt; emitter-appended) ---
"""Pipeline reference for scband-node-level-pooling-6975026889242 (READ-ONLY COPY).

The authoritative reference and input builder live on the scoring server;
editing this copy changes nothing except your own understanding.
"""

import jax, jax.numpy as jnp
import numpy as np


def setup_inputs(seed: int = 0) -> dict:
    key = jax.random.key(seed)
    k1, k2, k3, k4 = jax.random.split(key, 4)
    num_nodes = 10000
    E = 320000
    E2 = 320000
    d = 128
    edge_attr = jax.random.normal(k1, (E, d), dtype=jnp.float32)
    edge_attr2 = jax.random.normal(k2, (E2, d), dtype=jnp.float32)
    edge_index = jax.random.randint(k3, (2, E), 0, num_nodes, dtype=jnp.int64)
    edge_index2 = jax.random.randint(k4, (2, E2), 0, num_nodes, dtype=jnp.int64)
    return {
        "edge_attr": edge_attr,
        "edge_attr2": edge_attr2,
        "edge_index": edge_index,
        "edge_index2": edge_index2,
        "num_nodes": num_nodes,
    }


_NUM_NODES_STATIC = 10000


def _scatter_mean(src, index, dim_size):
    # scatter(..., reduce='mean'): sum per segment divided by count (count clamped to >= 1)
    summed = jax.ops.segment_sum(src, index, num_segments=dim_size)
    counts = jax.ops.segment_sum(jnp.ones((src.shape[0],), dtype=src.dtype), index, num_segments=dim_size)
    counts = jnp.clip(counts, 1.0, None)
    return summed / counts[:, None]


def reference(edge_attr, edge_attr2, edge_index, edge_index2, num_nodes):
    pooled1 = _scatter_mean(edge_attr, edge_index[0], _NUM_NODES_STATIC)
    pooled2 = _scatter_mean(edge_attr2, edge_index2[0], _NUM_NODES_STATIC)
    zero_dep = (jnp.asarray(num_nodes) * 0).astype(pooled1.dtype)
    return pooled1 + pooled2 + zero_dep

if __name__ == "__main__":
    import jax
    _d = setup_inputs()
    print(jax.jit(kernel)(*tuple(_d.values())))

</pallas_src>

<mosaic_0001>
#map = affine_map<(d0, d1) -> (0, 0)>
#map1 = affine_map<(d0, d1) -> (0)>
module attributes {stable_mosaic.version = 14 : i64} {
  func.func @_sc_pool_body(%arg0: i32, %arg1: i32, %arg2: memref<320000x128xf32, #tpu.memory_space<hbm>>, %arg3: memref<320000xi32, #tpu.memory_space<hbm>>, %arg4: memref<320000x128xf32, #tpu.memory_space<hbm>>, %arg5: memref<320000xi32, #tpu.memory_space<hbm>>, %arg6: memref<10000x128xf32, #tpu.memory_space<hbm>>, %arg7: memref<10000x16xf32, #tpu.memory_space<hbm>>, %arg8: memref<128x16xf32, #tpu.memory_space<hbm>>, %arg9: memref<10000x128xf32, #tpu.memory_space<hbm>>, %arg10: memref<10000x16xf32, #tpu.memory_space<hbm>>, %arg11: memref<10000x128xf32, #tpu.memory_space<hbm>>, %arg12: memref<10000x16xf32, #tpu.memory_space<hbm>>, %arg13: memref<10000x128xf32, #tpu.memory_space<vmem_shared>>, %arg14: memref<10000x16xf32, #tpu.memory_space<vmem_shared>>, %arg15: memref<128xi32, #tpu.memory_space<vmem>>, %arg16: memref<128x128xf32, #tpu.memory_space<vmem>>, %arg17: memref<128xi32, #tpu.memory_space<vmem>>, %arg18: memref<128x128xf32, #tpu.memory_space<vmem>>, %arg19: memref<128x16xf32, #tpu.memory_space<vmem>>, %arg20: memref<32xi32, #tpu.memory_space<vmem>>, %arg21: memref<32x128xf32, #tpu.memory_space<vmem>>, %arg22: memref<32x16xf32, #tpu.memory_space<vmem>>, %arg23: memref<!tpu.dma_semaphore, #tpu.memory_space<semaphore_mem>>, %arg24: memref<!tpu.dma_semaphore, #tpu.memory_space<semaphore_mem>>, %arg25: memref<!tpu.dma_semaphore, #tpu.memory_space<semaphore_mem>>, %arg26: memref<!tpu.dma_semaphore, #tpu.memory_space<semaphore_mem>>) attributes {dimension_semantics = [#tpu.dimension_semantics<core_parallel>, #tpu.dimension_semantics<subcore_parallel>], iteration_bounds = array<i64: 2, 16>, scalar_prefetch = 0 : i64, scratch_operands = 14 : i64, tpu.core_type = #tpu.core_type<sc_vector_subcore>, window_params = [{transform_indices = #map}, {transform_indices = #map1}, {transform_indices = #map}, {transform_indices = #map1}, {transform_indices = #map}, {transform_indices = #map}, {transform_indices = #map}, {transform_indices = #map}, {transform_indices = #map}, {transform_indices = #map}, {transform_indices = #map}]} {
    %mul3A = arith.constant 625 : i32
    %mul3A_0 = arith.muli %arg1, %mul3A : i32
    "tpu.region"() ({
      %run_scoped3A = tpu.sem_alloc : memref<!tpu.dma_semaphore, #tpu.memory_space<semaphore_mem>>
      %dma_start3A = arith.constant 0 : i32
      %dma_start3A_19 = tpu.memref_slice %arg13[%mul3A_0, %dma_start3A] : memref<10000x128xf32, #tpu.memory_space<vmem_shared>> -> memref<625x128xf32, #tpu.memory_space<vmem_shared>>
      %dma_start3A_20 = arith.constant 0 : i32
      %dma_start3A_21 = tpu.memref_slice %arg6[%mul3A_0, %dma_start3A_20] : memref<10000x128xf32, #tpu.memory_space<hbm>> -> memref<625x128xf32, #tpu.memory_space<hbm>>
      tpu.enqueue_dma source(%dma_start3A_21 : memref<625x128xf32, #tpu.memory_space<hbm>>) target(%dma_start3A_19 : memref<625x128xf32, #tpu.memory_space<vmem_shared>>) target_semaphore(%run_scoped3A : memref<!tpu.dma_semaphore, #tpu.memory_space<semaphore_mem>>)
      %dma_wait3A = arith.constant 0 : i32
      %dma_wait3A_22 = tpu.memref_slice %arg13[%mul3A_0, %dma_wait3A] : memref<10000x128xf32, #tpu.memory_space<vmem_shared>> -> memref<625x128xf32, #tpu.memory_space<vmem_shared>>
      %dma_wait3A_23 = arith.constant 0 : i32
      %dma_wait3A_24 = tpu.memref_slice %arg6[%mul3A_0, %dma_wait3A_23] : memref<10000x128xf32, #tpu.memory_space<hbm>> -> memref<625x128xf32, #tpu.memory_space<hbm>>
      tpu.wait_dma2 semaphore(%run_scoped3A : memref<!tpu.dma_semaphore, #tpu.memory_space<semaphore_mem>>) src(%dma_wait3A_24 : memref<625x128xf32, #tpu.memory_space<hbm>>) dst(%dma_wait3A_22 : memref<625x128xf32, #tpu.memory_space<vmem_shared>>)
      tpu.yield
    }) : () -> ()
    "tpu.region"() ({
      %run_scoped3A = tpu.sem_alloc : memref<!tpu.dma_semaphore, #tpu.memory_space<semaphore_mem>>
      %dma_start3A = arith.constant 0 : i32
      %dma_start3A_19 = tpu.memref_slice %arg14[%mul3A_0, %dma_start3A] : memref<10000x16xf32, #tpu.memory_space<vmem_shared>> -> memref<625x16xf32, #tpu.memory_space<vmem_shared>>
      %dma_start3A_20 = arith.constant 0 : i32
      %dma_start3A_21 = tpu.memref_slice %arg7[%mul3A_0, %dma_start3A_20] : memref<10000x16xf32, #tpu.memory_space<hbm>> -> memref<625x16xf32, #tpu.memory_space<hbm>>
      tpu.enqueue_dma source(%dma_start3A_21 : memref<625x16xf32, #tpu.memory_space<hbm>>) target(%dma_start3A_19 : memref<625x16xf32, #tpu.memory_space<vmem_shared>>) target_semaphore(%run_scoped3A : memref<!tpu.dma_semaphore, #tpu.memory_space<semaphore_mem>>)
      %dma_wait3A = arith.constant 0 : i32
      %dma_wait3A_22 = tpu.memref_slice %arg14[%mul3A_0, %dma_wait3A] : memref<10000x16xf32, #tpu.memory_space<vmem_shared>> -> memref<625x16xf32, #tpu.memory_space<vmem_shared>>
      %dma_wait3A_23 = arith.constant 0 : i32
      %dma_wait3A_24 = tpu.memref_slice %arg7[%mul3A_0, %dma_wait3A_23] : memref<10000x16xf32, #tpu.memory_space<hbm>> -> memref<625x16xf32, #tpu.memory_space<hbm>>
      tpu.wait_dma2 semaphore(%run_scoped3A : memref<!tpu.dma_semaphore, #tpu.memory_space<semaphore_mem>>) src(%dma_wait3A_24 : memref<625x16xf32, #tpu.memory_space<hbm>>) dst(%dma_wait3A_22 : memref<625x16xf32, #tpu.memory_space<vmem_shared>>)
      tpu.yield
    }) : () -> ()
    "tpu.region"() ({
      %run_scoped3A = tpu.sem_alloc : memref<!tpu.dma_semaphore, #tpu.memory_space<semaphore_mem>>
      tpu.enqueue_dma source(%arg8 : memref<128x16xf32, #tpu.memory_space<hbm>>) target(%arg19 : memref<128x16xf32, #tpu.memory_space<vmem>>) target_semaphore(%run_scoped3A : memref<!tpu.dma_semaphore, #tpu.memory_space<semaphore_mem>>)
      tpu.wait_dma2 semaphore(%run_scoped3A : memref<!tpu.dma_semaphore, #tpu.memory_space<semaphore_mem>>) src(%arg8 : memref<128x16xf32, #tpu.memory_space<hbm>>) dst(%arg19 : memref<128x16xf32, #tpu.memory_space<vmem>>)
      tpu.yield
    }) : () -> ()
    "tpu.region"() ({
      %run_scoped3A = tpu.sem_alloc : memref<!tpu.dma_semaphore, #tpu.memory_space<semaphore_mem>>
      %dma_start3A = arith.constant 0 : i32
      %dma_start3A_19 = arith.constant 0 : i32
      %dma_start3A_20 = tpu.memref_slice %arg8[%dma_start3A, %dma_start3A_19] : memref<128x16xf32, #tpu.memory_space<hbm>> -> memref<32x16xf32, #tpu.memory_space<hbm>>
      %dma_start3A_21 = arith.constant 0 : i32
      %dma_start3A_22 = arith.constant 0 : i32
      %dma_start3A_23 = tpu.memref_slice %arg8[%dma_start3A_21, %dma_start3A_22] : memref<128x16xf32, #tpu.memory_space<hbm>> -> memref<32x16xf32, #tpu.memory_space<hbm>>
      tpu.enqueue_dma source(%dma_start3A_23 : memref<32x16xf32, #tpu.memory_space<hbm>>) target(%arg22 : memref<32x16xf32, #tpu.memory_space<vmem>>) target_semaphore(%run_scoped3A : memref<!tpu.dma_semaphore, #tpu.memory_space<semaphore_mem>>)
      %dma_wait3A = arith.constant 0 : i32
      %dma_wait3A_24 = arith.constant 0 : i32
      %dma_wait3A_25 = tpu.memref_slice %arg8[%dma_wait3A, %dma_wait3A_24] : memref<128x16xf32, #tpu.memory_space<hbm>> -> memref<32x16xf32, #tpu.memory_space<hbm>>
      %dma_wait3A_26 = arith.constant 0 : i32
      %dma_wait3A_27 = arith.constant 0 : i32
      %dma_wait3A_28 = tpu.memref_slice %arg8[%dma_wait3A_26, %dma_wait3A_27] : memref<128x16xf32, #tpu.memory_space<hbm>> -> memref<32x16xf32, #tpu.memory_space<hbm>>
      tpu.wait_dma2 semaphore(%run_scoped3A : memref<!tpu.dma_semaphore, #tpu.memory_space<semaphore_mem>>) src(%dma_wait3A_28 : memref<32x16xf32, #tpu.memory_space<hbm>>) dst(%arg22 : memref<32x16xf32, #tpu.memory_space<vmem>>)
      tpu.yield
    }) : () -> ()
    %barrier3A = arith.constant 0 : index
    tpu.barrier barrier_id(%barrier3A)
    %eq3A = arith.constant 0 : i32
    %eq3A_1 = arith.cmpi eq, %arg0, %eq3A : i32
    %convert_element_type3A = arith.extui %eq3A_1 : i1 to i32
    %cond3A = arith.constant 0 : i32
    %cond3A_2 = arith.cmpi ne, %convert_element_type3A, %cond3A : i32
    scf.if %cond3A_2 {
      %mul3A_19 = arith.constant 20000 : i32
      %mul3A_20 = arith.muli %arg1, %mul3A_19 : i32
      %add3A = arith.constant 0 : i32
      %add3A_21 = arith.addi %mul3A_20, %add3A : i32
      %multiple_of3A = tpu.assume_multiple %add3A_21, 8 : i32
      %dma_start3A = tpu.memref_slice %arg3[%multiple_of3A] : memref<320000xi32, #tpu.memory_space<hbm>> -> memref<128xi32, #tpu.memory_space<hbm>>
      %dma_start3A_22 = tpu.memref_slice %arg3[%multiple_of3A] : memref<320000xi32, #tpu.memory_space<hbm>> -> memref<128xi32, #tpu.memory_space<hbm>>
      tpu.enqueue_dma source(%dma_start3A_22 : memref<128xi32, #tpu.memory_space<hbm>>) target(%arg15 : memref<128xi32, #tpu.memory_space<vmem>>) target_semaphore(%arg23 : memref<!tpu.dma_semaphore, #tpu.memory_space<semaphore_mem>>)
      %dma_start3A_23 = arith.constant 0 : i32
      %dma_start3A_24 = tpu.memref_slice %arg2[%multiple_of3A, %dma_start3A_23] : memref<320000x128xf32, #tpu.memory_space<hbm>> -> memref<128x128xf32, #tpu.memory_space<hbm>>
      %dma_start3A_25 = arith.constant 0 : i32
      %dma_start3A_26 = tpu.memref_slice %arg2[%multiple_of3A, %dma_start3A_25] : memref<320000x128xf32, #tpu.memory_space<hbm>> -> memref<128x128xf32, #tpu.memory_space<hbm>>
      tpu.enqueue_dma source(%dma_start3A_26 : memref<128x128xf32, #tpu.memory_space<hbm>>) target(%arg16 : memref<128x128xf32, #tpu.memory_space<vmem>>) target_semaphore(%arg23 : memref<!tpu.dma_semaphore, #tpu.memory_space<semaphore_mem>>)
      %add3A_27 = arith.constant 128 : i32
      %add3A_28 = arith.addi %mul3A_20, %add3A_27 : i32
      %multiple_of3A_29 = tpu.assume_multiple %add3A_28, 8 : i32
      %dma_start3A_30 = tpu.memref_slice %arg3[%multiple_of3A_29] : memref<320000xi32, #tpu.memory_space<hbm>> -> memref<128xi32, #tpu.memory_space<hbm>>
      %dma_start3A_31 = tpu.memref_slice %arg3[%multiple_of3A_29] : memref<320000xi32, #tpu.memory_space<hbm>> -> memref<128xi32, #tpu.memory_space<hbm>>
      tpu.enqueue_dma source(%dma_start3A_31 : memref<128xi32, #tpu.memory_space<hbm>>) target(%arg17 : memref<128xi32, #tpu.memory_space<vmem>>) target_semaphore(%arg24 : memref<!tpu.dma_semaphore, #tpu.memory_space<semaphore_mem>>)
      %dma_start3A_32 = arith.constant 0 : i32
      %dma_start3A_33 = tpu.memref_slice %arg2[%multiple_of3A_29, %dma_start3A_32] : memref<320000x128xf32, #tpu.memory_space<hbm>> -> memref<128x128xf32, #tpu.memory_space<hbm>>
      %dma_start3A_34 = arith.constant 0 : i32
      %dma_start3A_35 = tpu.memref_slice %arg2[%multiple_of3A_29, %dma_start3A_34] : memref<320000x128xf32, #tpu.memory_space<hbm>> -> memref<128x128xf32, #tpu.memory_space<hbm>>
      tpu.enqueue_dma source(%dma_start3A_35 : memref<128x128xf32, #tpu.memory_space<hbm>>) target(%arg18 : memref<128x128xf32, #tpu.memory_space<vmem>>) target_semaphore(%arg24 : memref<!tpu.dma_semaphore, #tpu.memory_space<semaphore_mem>>)
      %scan3A = arith.constant 0 : i32
      %scan3A_36 = arith.constant 0 : i32
      %scan3A_37 = arith.constant 78 : i32
      %scan3A_38 = arith.addi %scan3A_36, %scan3A_37 : i32
      %scan3A_39 = arith.constant 1 : i32
      %scan3A_40 = scf.for %scan3A_65 = %scan3A_36 to %scan3A_38 step %scan3A_39 iter_args(%scan3A_66 = %scan3A) -> (i32)  : i32 {
        %mul3A_67 = arith.constant 2 : i32
        %mul3A_68 = arith.muli %mul3A_67, %scan3A_65 : i32
        %dma_wait3A_69 = arith.constant 0 : i32
        %dma_wait3A_70 = tpu.memref_slice %arg3[%dma_wait3A_69] : memref<320000xi32, #tpu.memory_space<hbm>> -> memref<128xi32, #tpu.memory_space<hbm>>
        %dma_wait3A_71 = arith.constant 0 : i32
        %dma_wait3A_72 = tpu.memref_slice %arg3[%dma_wait3A_71] : memref<320000xi32, #tpu.memory_space<hbm>> -> memref<128xi32, #tpu.memory_space<hbm>>
        tpu.wait_dma2 semaphore(%arg23 : memref<!tpu.dma_semaphore, #tpu.memory_space<semaphore_mem>>) src(%dma_wait3A_72 : memref<128xi32, #tpu.memory_space<hbm>>) dst(%arg15 : memref<128xi32, #tpu.memory_space<vmem>>)
        %dma_wait3A_73 = arith.constant 0 : i32
        %dma_wait3A_74 = arith.constant 0 : i32
        %dma_wait3A_75 = tpu.memref_slice %arg2[%dma_wait3A_73, %dma_wait3A_74] : memref<320000x128xf32, #tpu.memory_space<hbm>> -> memref<128x128xf32, #tpu.memory_space<hbm>>
        %dma_wait3A_76 = arith.constant 0 : i32
        %dma_wait3A_77 = arith.constant 0 : i32
        %dma_wait3A_78 = tpu.memref_slice %arg2[%dma_wait3A_76, %dma_wait3A_77] : memref<320000x128xf32, #tpu.memory_space<hbm>> -> memref<128x128xf32, #tpu.memory_space<hbm>>
        tpu.wait_dma2 semaphore(%arg23 : memref<!tpu.dma_semaphore, #tpu.memory_space<semaphore_mem>>) src(%dma_wait3A_78 : memref<128x128xf32, #tpu.memory_space<hbm>>) dst(%arg16 : memref<128x128xf32, #tpu.memory_space<vmem>>)
        %dma_start3A_79 = arith.constant 0 : i32
        %dma_start3A_80 = arith.constant 0 : i32
        %dma_start3A_81 = tpu.memref_slice %arg13[%dma_start3A_79, %dma_start3A_80] : memref<10000x128xf32, #tpu.memory_space<vmem_shared>> -> memref<10000x128xf32, #tpu.memory_space<vmem_shared>>
        tpu.enqueue_indirect_dma source(%arg16 : memref<128x128xf32, #tpu.memory_space<vmem>>) target(%dma_start3A_81 : memref<10000x128xf32, #tpu.memory_space<vmem_shared>>) offsets(%arg15 : memref<128xi32, #tpu.memory_space<vmem>>) semaphore(%arg25 : memref<!tpu.dma_semaphore, #tpu.memory_space<semaphore_mem>>) {add = true}
        %dma_start3A_82 = arith.constant 0 : i32
        %dma_start3A_83 = arith.constant 0 : i32
        %dma_start3A_84 = tpu.memref_slice %arg14[%dma_start3A_82, %dma_start3A_83] : memref<10000x16xf32, #tpu.memory_space<vmem_shared>> -> memref<10000x16xf32, #tpu.memory_space<vmem_shared>>
        tpu.enqueue_indirect_dma source(%arg19 : memref<128x16xf32, #tpu.memory_space<vmem>>) target(%dma_start3A_84 : memref<10000x16xf32, #tpu.memory_space<vmem_shared>>) offsets(%arg15 : memref<128xi32, #tpu.memory_space<vmem>>) semaphore(%arg25 : memref<!tpu.dma_semaphore, #tpu.memory_space<semaphore_mem>>) {add = true}
        %gt3A = arith.constant 0 : i32
        %gt3A_85 = arith.cmpi sgt, %scan3A_65, %gt3A : i32
        %convert_element_type3A_86 = arith.extui %gt3A_85 : i1 to i32
        %cond3A_87 = arith.constant 0 : i32
        %cond3A_88 = arith.cmpi ne, %convert_element_type3A_86, %cond3A_87 : i32
        scf.if %cond3A_88 {
          %dma_wait3A_118 = arith.constant 0 : i32
          %dma_wait3A_119 = arith.constant 0 : i32
          %dma_wait3A_120 = tpu.memref_slice %arg13[%dma_wait3A_118, %dma_wait3A_119] : memref<10000x128xf32, #tpu.memory_space<vmem_shared>> -> memref<10000x128xf32, #tpu.memory_space<vmem_shared>>
          tpu.wait_indirect_dma semaphore(%arg26 : memref<!tpu.dma_semaphore, #tpu.memory_space<semaphore_mem>>) src(%arg18 : memref<128x128xf32, #tpu.memory_space<vmem>>) dst(%dma_wait3A_120 : memref<10000x128xf32, #tpu.memory_space<vmem_shared>>)
          %dma_wait3A_121 = arith.constant 0 : i32
          %dma_wait3A_122 = arith.constant 0 : i32
          %dma_wait3A_123 = tpu.memref_slice %arg14[%dma_wait3A_121, %dma_wait3A_122] : memref<10000x16xf32, #tpu.memory_space<vmem_shared>> -> memref<10000x16xf32, #tpu.memory_space<vmem_shared>>
          tpu.wait_indirect_dma semaphore(%arg26 : memref<!tpu.dma_semaphore, #tpu.memory_space<semaphore_mem>>) src(%arg19 : memref<128x16xf32, #tpu.memory_space<vmem>>) dst(%dma_wait3A_123 : memref<10000x16xf32, #tpu.memory_space<vmem_shared>>)
          %add3A_124 = arith.constant 1 : i32
          %add3A_125 = arith.addi %mul3A_68, %add3A_124 : i32
          %mul3A_126 = arith.constant 128 : i32
          %mul3A_127 = arith.muli %add3A_125, %mul3A_126 : i32
          %add3A_128 = arith.addi %mul3A_20, %mul3A_127 : i32
          %multiple_of3A_129 = tpu.assume_multiple %add3A_128, 8 : i32
          %dma_start3A_130 = tpu.memref_slice %arg3[%multiple_of3A_129] : memref<320000xi32, #tpu.memory_space<hbm>> -> memref<128xi32, #tpu.memory_space<hbm>>
          %dma_start3A_131 = tpu.memref_slice %arg3[%multiple_of3A_129] : memref<320000xi32, #tpu.memory_space<hbm>> -> memref<128xi32, #tpu.memory_space<hbm>>
          tpu.enqueue_dma source(%dma_start3A_131 : memref<128xi32, #tpu.memory_space<hbm>>) target(%arg17 : memref<128xi32, #tpu.memory_space<vmem>>) target_semaphore(%arg24 : memref<!tpu.dma_semaphore, #tpu.memory_space<semaphore_mem>>)
          %dma_start3A_132 = arith.constant 0 : i32
          %dma_start3A_133 = tpu.memref_slice %arg2[%multiple_of3A_129, %dma_start3A_132] : memref<320000x128xf32, #tpu.memory_space<hbm>> -> memref<128x128xf32, #tpu.memory_space<hbm>>
          %dma_start3A_134 = arith.constant 0 : i32
          %dma_start3A_135 = tpu.memref_slice %arg2[%multiple_of3A_129, %dma_start3A_134] : memref<320000x128xf32, #tpu.memory_space<hbm>> -> memref<128x128xf32, #tpu.memory_space<hbm>>
          tpu.enqueue_dma source(%dma_start3A_135 : memref<128x128xf32, #tpu.memory_space<hbm>>) target(%arg18 : memref<128x128xf32, #tpu.memory_space<vmem>>) target_semaphore(%arg24 : memref<!tpu.dma_semaphore, #tpu.memory_space<semaphore_mem>>)
        } else {
        }
        %dma_wait3A_89 = arith.constant 0 : i32
        %dma_wait3A_90 = tpu.memref_slice %arg3[%dma_wait3A_89] : memref<320000xi32, #tpu.memory_space<hbm>> -> memref<128xi32, #tpu.memory_space<hbm>>
        %dma_wait3A_91 = arith.constant 0 : i32
        %dma_wait3A_92 = tpu.memref_slice %arg3[%dma_wait3A_91] : memref<320000xi32, #tpu.memory_space<hbm>> -> memref<128xi32, #tpu.memory_space<hbm>>
        tpu.wait_dma2 semaphore(%arg24 : memref<!tpu.dma_semaphore, #tpu.memory_space<semaphore_mem>>) src(%dma_wait3A_92 : memref<128xi32, #tpu.memory_space<hbm>>) dst(%arg17 : memref<128xi32, #tpu.memory_space<vmem>>)
        %dma_wait3A_93 = arith.constant 0 : i32
        %dma_wait3A_94 = arith.constant 0 : i32
        %dma_wait3A_95 = tpu.memref_slice %arg2[%dma_wait3A_93, %dma_wait3A_94] : memref<320000x128xf32, #tpu.memory_space<hbm>> -> memref<128x128xf32, #tpu.memory_space<hbm>>
        %dma_wait3A_96 = arith.constant 0 : i32
        %dma_wait3A_97 = arith.constant 0 : i32
        %dma_wait3A_98 = tpu.memref_slice %arg2[%dma_wait3A_96, %dma_wait3A_97] : memref<320000x128xf32, #tpu.memory_space<hbm>> -> memref<128x128xf32, #tpu.memory_space<hbm>>
        tpu.wait_dma2 semaphore(%arg24 : memref<!tpu.dma_semaphore, #tpu.memory_space<semaphore_mem>>) src(%dma_wait3A_98 : memref<128x128xf32, #tpu.memory_space<hbm>>) dst(%arg18 : memref<128x128xf32, #tpu.memory_space<vmem>>)
        %dma_start3A_99 = arith.constant 0 : i32
        %dma_start3A_100 = arith.constant 0 : i32
        %dma_start3A_101 = tpu.memref_slice %arg13[%dma_start3A_99, %dma_start3A_100] : memref<10000x128xf32, #tpu.memory_space<vmem_shared>> -> memref<10000x128xf32, #tpu.memory_space<vmem_shared>>
        tpu.enqueue_indirect_dma source(%arg18 : memref<128x128xf32, #tpu.memory_space<vmem>>) target(%dma_start3A_101 : memref<10000x128xf32, #tpu.memory_space<vmem_shared>>) offsets(%arg17 : memref<128xi32, #tpu.memory_space<vmem>>) semaphore(%arg26 : memref<!tpu.dma_semaphore, #tpu.memory_space<semaphore_mem>>) {add = true}
        %dma_start3A_102 = arith.constant 0 : i32
        %dma_start3A_103 = arith.constant 0 : i32
        %dma_start3A_104 = tpu.memref_slice %arg14[%dma_start3A_102, %dma_start3A_103] : memref<10000x16xf32, #tpu.memory_space<vmem_shared>> -> memref<10000x16xf32, #tpu.memory_space<vmem_shared>>
        tpu.enqueue_indirect_dma source(%arg19 : memref<128x16xf32, #tpu.memory_space<vmem>>) target(%dma_start3A_104 : memref<10000x16xf32, #tpu.memory_space<vmem_shared>>) offsets(%arg17 : memref<128xi32, #tpu.memory_space<vmem>>) semaphore(%arg26 : memref<!tpu.dma_semaphore, #tpu.memory_space<semaphore_mem>>) {add = true}
        %dma_wait3A_105 = arith.constant 0 : i32
        %dma_wait3A_106 = arith.constant 0 : i32
        %dma_wait3A_107 = tpu.memref_slice %arg13[%dma_wait3A_105, %dma_wait3A_106] : memref<10000x128xf32, #tpu.memory_space<vmem_shared>> -> memref<10000x128xf32, #tpu.memory_space<vmem_shared>>
        tpu.wait_indirect_dma semaphore(%arg25 : memref<!tpu.dma_semaphore, #tpu.memory_space<semaphore_mem>>) src(%arg16 : memref<128x128xf32, #tpu.memory_space<vmem>>) dst(%dma_wait3A_107 : memref<10000x128xf32, #tpu.memory_space<vmem_shared>>)
        %dma_wait3A_108 = arith.constant 0 : i32
        %dma_wait3A_109 = arith.constant 0 : i32
        %dma_wait3A_110 = tpu.memref_slice %arg14[%dma_wait3A_108, %dma_wait3A_109] : memref<10000x16xf32, #tpu.memory_space<vmem_shared>> -> memref<10000x16xf32, #tpu.memory_space<vmem_shared>>
        tpu.wait_indirect_dma semaphore(%arg25 : memref<!tpu.dma_semaphore, #tpu.memory_space<semaphore_mem>>) src(%arg19 : memref<128x16xf32, #tpu.memory_space<vmem>>) dst(%dma_wait3A_110 : memref<10000x16xf32, #tpu.memory_space<vmem_shared>>)
        %add3A_111 = arith.constant 2 : i32
        %add3A_112 = arith.addi %mul3A_68, %add3A_111 : i32
        %lt3A = arith.constant 156 : i32
        %lt3A_113 = arith.cmpi slt, %add3A_112, %lt3A : i32
        %convert_element_type3A_114 = arith.extui %lt3A_113 : i1 to i32
        %cond3A_115 = arith.constant 0 : i32
        %cond3A_116 = arith.cmpi ne, %convert_element_type3A_114, %cond3A_115 : i32
        scf.if %cond3A_116 {
          %add3A_118 = arith.constant 2 : i32
          %add3A_119 = arith.addi %mul3A_68, %add3A_118 : i32
          %mul3A_120 = arith.constant 128 : i32
          %mul3A_121 = arith.muli %add3A_119, %mul3A_120 : i32
          %add3A_122 = arith.addi %mul3A_20, %mul3A_121 : i32
          %multiple_of3A_123 = tpu.assume_multiple %add3A_122, 8 : i32
          %dma_start3A_124 = tpu.memref_slice %arg3[%multiple_of3A_123] : memref<320000xi32, #tpu.memory_space<hbm>> -> memref<128xi32, #tpu.memory_space<hbm>>
          %dma_start3A_125 = tpu.memref_slice %arg3[%multiple_of3A_123] : memref<320000xi32, #tpu.memory_space<hbm>> -> memref<128xi32, #tpu.memory_space<hbm>>
          tpu.enqueue_dma source(%dma_start3A_125 : memref<128xi32, #tpu.memory_space<hbm>>) target(%arg15 : memref<128xi32, #tpu.memory_space<vmem>>) target_semaphore(%arg23 : memref<!tpu.dma_semaphore, #tpu.memory_space<semaphore_mem>>)
          %dma_start3A_126 = arith.constant 0 : i32
          %dma_start3A_127 = tpu.memref_slice %arg2[%multiple_of3A_123, %dma_start3A_126] : memref<320000x128xf32, #tpu.memory_space<hbm>> -> memref<128x128xf32, #tpu.memory_space<hbm>>
          %dma_start3A_128 = arith.constant 0 : i32
          %dma_start3A_129 = tpu.memref_slice %arg2[%multiple_of3A_123, %dma_start3A_128] : memref<320000x128xf32, #tpu.memory_space<hbm>> -> memref<128x128xf32, #tpu.memory_space<hbm>>
          tpu.enqueue_dma source(%dma_start3A_129 : memref<128x128xf32, #tpu.memory_space<hbm>>) target(%arg16 : memref<128x128xf32, #tpu.memory_space<vmem>>) target_semaphore(%arg23 : memref<!tpu.dma_semaphore, #tpu.memory_space<semaphore_mem>>)
        } else {
        }
        %scan3A_117 = arith.constant 0 : i32
        scf.yield %scan3A_117 : i32
      }
      %scan3A_41 = arith.constant 78 : i32
      %add3A_42 = arith.constant 19968 : i32
      %add3A_43 = arith.addi %mul3A_20, %add3A_42 : i32
      %dma_start3A_44 = tpu.memref_slice %arg3[%add3A_43] : memref<320000xi32, #tpu.memory_space<hbm>> -> memref<32xi32, #tpu.memory_space<hbm>>
      %dma_start3A_45 = tpu.memref_slice %arg3[%add3A_43] : memref<320000xi32, #tpu.memory_space<hbm>> -> memref<32xi32, #tpu.memory_space<hbm>>
      tpu.enqueue_dma source(%dma_start3A_45 : memref<32xi32, #tpu.memory_space<hbm>>) target(%arg20 : memref<32xi32, #tpu.memory_space<vmem>>) target_semaphore(%arg23 : memref<!tpu.dma_semaphore, #tpu.memory_space<semaphore_mem>>)
      %dma_start3A_46 = arith.constant 0 : i32
      %dma_start3A_47 = tpu.memref_slice %arg2[%add3A_43, %dma_start3A_46] : memref<320000x128xf32, #tpu.memory_space<hbm>> -> memref<32x128xf32, #tpu.memory_space<hbm>>
      %dma_start3A_48 = arith.constant 0 : i32
      %dma_start3A_49 = tpu.memref_slice %arg2[%add3A_43, %dma_start3A_48] : memref<320000x128xf32, #tpu.memory_space<hbm>> -> memref<32x128xf32, #tpu.memory_space<hbm>>
      tpu.enqueue_dma source(%dma_start3A_49 : memref<32x128xf32, #tpu.memory_space<hbm>>) target(%arg21 : memref<32x128xf32, #tpu.memory_space<vmem>>) target_semaphore(%arg23 : memref<!tpu.dma_semaphore, #tpu.memory_space<semaphore_mem>>)
      %dma_wait3A = arith.constant 0 : i32
      %dma_wait3A_50 = arith.constant 0 : i32
      %dma_wait3A_51 = tpu.memref_slice %arg13[%dma_wait3A, %dma_wait3A_50] : memref<10000x128xf32, #tpu.memory_space<vmem_shared>> -> memref<10000x128xf32, #tpu.memory_space<vmem_shared>>
      tpu.wait_indirect_dma semaphore(%arg26 : memref<!tpu.dma_semaphore, #tpu.memory_space<semaphore_mem>>) src(%arg18 : memref<128x128xf32, #tpu.memory_space<vmem>>) dst(%dma_wait3A_51 : memref<10000x128xf32, #tpu.memory_space<vmem_shared>>)
      %dma_wait3A_52 = arith.constant 0 : i32
      %dma_wait3A_53 = arith.constant 0 : i32
      %dma_wait3A_54 = tpu.memref_slice %arg14[%dma_wait3A_52, %dma_wait3A_53] : memref<10000x16xf32, #tpu.memory_space<vmem_shared>> -> memref<10000x16xf32, #tpu.memory_space<vmem_shared>>
      tpu.wait_indirect_dma semaphore(%arg26 : memref<!tpu.dma_semaphore, #tpu.memory_space<semaphore_mem>>) src(%arg19 : memref<128x16xf32, #tpu.memory_space<vmem>>) dst(%dma_wait3A_54 : memref<10000x16xf32, #tpu.memory_space<vmem_shared>>)
      %dma_wait3A_55 = arith.constant 0 : i32
      %dma_wait3A_56 = tpu.memref_slice %arg3[%dma_wait3A_55] : memref<320000xi32, #tpu.memory_space<hbm>> -> memref<32xi32, #tpu.memory_space<hbm>>
      %dma_wait3A_57 = arith.constant 0 : i32
      %dma_wait3A_58 = tpu.memref_slice %arg3[%dma_wait3A_57] : memref<320000xi32, #tpu.memory_space<hbm>> -> memref<32xi32, #tpu.memory_space<hbm>>
      tpu.wait_dma2 semaphore(%arg23 : memref<!tpu.dma_semaphore, #tpu.memory_space<semaphore_mem>>) src(%dma_wait3A_58 : memref<32xi32, #tpu.memory_space<hbm>>) dst(%arg20 : memref<32xi32, #tpu.memory_space<vmem>>)
      %dma_wait3A_59 = arith.constant 0 : i32
      %dma_wait3A_60 = arith.constant 0 : i32
      %dma_wait3A_61 = tpu.memref_slice %arg2[%dma_wait3A_59, %dma_wait3A_60] : memref<320000x128xf32, #tpu.memory_space<hbm>> -> memref<32x128xf32, #tpu.memory_space<hbm>>
      %dma_wait3A_62 = arith.constant 0 : i32
      %dma_wait3A_63 = arith.constant 0 : i32
      %dma_wait3A_64 = tpu.memref_slice %arg2[%dma_wait3A_62, %dma_wait3A_63] : memref<320000x128xf32, #tpu.memory_space<hbm>> -> memref<32x128xf32, #tpu.memory_space<hbm>>
      tpu.wait_dma2 semaphore(%arg23 : memref<!tpu.dma_semaphore, #tpu.memory_space<semaphore_mem>>) src(%dma_wait3A_64 : memref<32x128xf32, #tpu.memory_space<hbm>>) dst(%arg21 : memref<32x128xf32, #tpu.memory_space<vmem>>)
      "tpu.region"() ({
        %run_scoped3A = tpu.sem_alloc : memref<!tpu.dma_semaphore, #tpu.memory_space<semaphore_mem>>
        %dma_start3A_65 = arith.constant 0 : i32
        %dma_start3A_66 = arith.constant 0 : i32
        %dma_start3A_67 = tpu.memref_slice %arg13[%dma_start3A_65, %dma_start3A_66] : memref<10000x128xf32, #tpu.memory_space<vmem_shared>> -> memref<10000x128xf32, #tpu.memory_space<vmem_shared>>
        tpu.enqueue_indirect_dma source(%arg21 : memref<32x128xf32, #tpu.memory_space<vmem>>) target(%dma_start3A_67 : memref<10000x128xf32, #tpu.memory_space<vmem_shared>>) offsets(%arg20 : memref<32xi32, #tpu.memory_space<vmem>>) semaphore(%run_scoped3A : memref<!tpu.dma_semaphore, #tpu.memory_space<semaphore_mem>>) {add = true}
        %dma_wait3A_68 = arith.constant 0 : i32
        %dma_wait3A_69 = arith.constant 0 : i32
        %dma_wait3A_70 = tpu.memref_slice %arg13[%dma_wait3A_68, %dma_wait3A_69] : memref<10000x128xf32, #tpu.memory_space<vmem_shared>> -> memref<10000x128xf32, #tpu.memory_space<vmem_shared>>
        tpu.wait_indirect_dma semaphore(%run_scoped3A : memref<!tpu.dma_semaphore, #tpu.memory_space<semaphore_mem>>) src(%arg21 : memref<32x128xf32, #tpu.memory_space<vmem>>) dst(%dma_wait3A_70 : memref<10000x128xf32, #tpu.memory_space<vmem_shared>>)
        tpu.yield
      }) : () -> ()
      "tpu.region"() ({
        %run_scoped3A = tpu.sem_alloc : memref<!tpu.dma_semaphore, #tpu.memory_space<semaphore_mem>>
        %dma_start3A_65 = arith.constant 0 : i32
        %dma_start3A_66 = arith.constant 0 : i32
        %dma_start3A_67 = tpu.memref_slice %arg14[%dma_start3A_65, %dma_start3A_66] : memref<10000x16xf32, #tpu.memory_space<vmem_shared>> -> memref<10000x16xf32, #tpu.memory_space<vmem_shared>>
        tpu.enqueue_indirect_dma source(%arg22 : memref<32x16xf32, #tpu.memory_space<vmem>>) target(%dma_start3A_67 : memref<10000x16xf32, #tpu.memory_space<vmem_shared>>) offsets(%arg20 : memref<32xi32, #tpu.memory_space<vmem>>) semaphore(%run_scoped3A : memref<!tpu.dma_semaphore, #tpu.memory_space<semaphore_mem>>) {add = true}
        %dma_wait3A_68 = arith.constant 0 : i32
        %dma_wait3A_69 = arith.constant 0 : i32
        %dma_wait3A_70 = tpu.memref_slice %arg14[%dma_wait3A_68, %dma_wait3A_69] : memref<10000x16xf32, #tpu.memory_space<vmem_shared>> -> memref<10000x16xf32, #tpu.memory_space<vmem_shared>>
        tpu.wait_indirect_dma semaphore(%run_scoped3A : memref<!tpu.dma_semaphore, #tpu.memory_space<semaphore_mem>>) src(%arg22 : memref<32x16xf32, #tpu.memory_space<vmem>>) dst(%dma_wait3A_70 : memref<10000x16xf32, #tpu.memory_space<vmem_shared>>)
        tpu.yield
      }) : () -> ()
    } else {
    }
    %eq3A_3 = arith.constant 1 : i32
    %eq3A_4 = arith.cmpi eq, %arg0, %eq3A_3 : i32
    %convert_element_type3A_5 = arith.extui %eq3A_4 : i1 to i32
    %cond3A_6 = arith.constant 0 : i32
    %cond3A_7 = arith.cmpi ne, %convert_element_type3A_5, %cond3A_6 : i32
    scf.if %cond3A_7 {
      %mul3A_19 = arith.constant 20000 : i32
      %mul3A_20 = arith.muli %arg1, %mul3A_19 : i32
      %add3A = arith.constant 0 : i32
      %add3A_21 = arith.addi %mul3A_20, %add3A : i32
      %multiple_of3A = tpu.assume_multiple %add3A_21, 8 : i32
      %dma_start3A = tpu.memref_slice %arg5[%multiple_of3A] : memref<320000xi32, #tpu.memory_space<hbm>> -> memref<128xi32, #tpu.memory_space<hbm>>
      %dma_start3A_22 = tpu.memref_slice %arg5[%multiple_of3A] : memref<320000xi32, #tpu.memory_space<hbm>> -> memref<128xi32, #tpu.memory_space<hbm>>
      tpu.enqueue_dma source(%dma_start3A_22 : memref<128xi32, #tpu.memory_space<hbm>>) target(%arg15 : memref<128xi32, #tpu.memory_space<vmem>>) target_semaphore(%arg23 : memref<!tpu.dma_semaphore, #tpu.memory_space<semaphore_mem>>)
      %dma_start3A_23 = arith.constant 0 : i32
      %dma_start3A_24 = tpu.memref_slice %arg4[%multiple_of3A, %dma_start3A_23] : memref<320000x128xf32, #tpu.memory_space<hbm>> -> memref<128x128xf32, #tpu.memory_space<hbm>>
      %dma_start3A_25 = arith.constant 0 : i32
      %dma_start3A_26 = tpu.memref_slice %arg4[%multiple_of3A, %dma_start3A_25] : memref<320000x128xf32, #tpu.memory_space<hbm>> -> memref<128x128xf32, #tpu.memory_space<hbm>>
      tpu.enqueue_dma source(%dma_start3A_26 : memref<128x128xf32, #tpu.memory_space<hbm>>) target(%arg16 : memref<128x128xf32, #tpu.memory_space<vmem>>) target_semaphore(%arg23 : memref<!tpu.dma_semaphore, #tpu.memory_space<semaphore_mem>>)
      %add3A_27 = arith.constant 128 : i32
      %add3A_28 = arith.addi %mul3A_20, %add3A_27 : i32
      %multiple_of3A_29 = tpu.assume_multiple %add3A_28, 8 : i32
      %dma_start3A_30 = tpu.memref_slice %arg5[%multiple_of3A_29] : memref<320000xi32, #tpu.memory_space<hbm>> -> memref<128xi32, #tpu.memory_space<hbm>>
      %dma_start3A_31 = tpu.memref_slice %arg5[%multiple_of3A_29] : memref<320000xi32, #tpu.memory_space<hbm>> -> memref<128xi32, #tpu.memory_space<hbm>>
      tpu.enqueue_dma source(%dma_start3A_31 : memref<128xi32, #tpu.memory_space<hbm>>) target(%arg17 : memref<128xi32, #tpu.memory_space<vmem>>) target_semaphore(%arg24 : memref<!tpu.dma_semaphore, #tpu.memory_space<semaphore_mem>>)
      %dma_start3A_32 = arith.constant 0 : i32
      %dma_start3A_33 = tpu.memref_slice %arg4[%multiple_of3A_29, %dma_start3A_32] : memref<320000x128xf32, #tpu.memory_space<hbm>> -> memref<128x128xf32, #tpu.memory_space<hbm>>
      %dma_start3A_34 = arith.constant 0 : i32
      %dma_start3A_35 = tpu.memref_slice %arg4[%multiple_of3A_29, %dma_start3A_34] : memref<320000x128xf32, #tpu.memory_space<hbm>> -> memref<128x128xf32, #tpu.memory_space<hbm>>
      tpu.enqueue_dma source(%dma_start3A_35 : memref<128x128xf32, #tpu.memory_space<hbm>>) target(%arg18 : memref<128x128xf32, #tpu.memory_space<vmem>>) target_semaphore(%arg24 : memref<!tpu.dma_semaphore, #tpu.memory_space<semaphore_mem>>)
      %scan3A = arith.constant 0 : i32
      %scan3A_36 = arith.constant 0 : i32
      %scan3A_37 = arith.constant 78 : i32
      %scan3A_38 = arith.addi %scan3A_36, %scan3A_37 : i32
      %scan3A_39 = arith.constant 1 : i32
      %scan3A_40 = scf.for %scan3A_65 = %scan3A_36 to %scan3A_38 step %scan3A_39 iter_args(%scan3A_66 = %scan3A) -> (i32)  : i32 {
        %mul3A_67 = arith.constant 2 : i32
        %mul3A_68 = arith.muli %mul3A_67, %scan3A_65 : i32
        %dma_wait3A_69 = arith.constant 0 : i32
        %dma_wait3A_70 = tpu.memref_slice %arg5[%dma_wait3A_69] : memref<320000xi32, #tpu.memory_space<hbm>> -> memref<128xi32, #tpu.memory_space<hbm>>
        %dma_wait3A_71 = arith.constant 0 : i32
        %dma_wait3A_72 = tpu.memref_slice %arg5[%dma_wait3A_71] : memref<320000xi32, #tpu.memory_space<hbm>> -> memref<128xi32, #tpu.memory_space<hbm>>
        tpu.wait_dma2 semaphore(%arg23 : memref<!tpu.dma_semaphore, #tpu.memory_space<semaphore_mem>>) src(%dma_wait3A_72 : memref<128xi32, #tpu.memory_space<hbm>>) dst(%arg15 : memref<128xi32, #tpu.memory_space<vmem>>)
        %dma_wait3A_73 = arith.constant 0 : i32
        %dma_wait3A_74 = arith.constant 0 : i32
        %dma_wait3A_75 = tpu.memref_slice %arg4[%dma_wait3A_73, %dma_wait3A_74] : memref<320000x128xf32, #tpu.memory_space<hbm>> -> memref<128x128xf32, #tpu.memory_space<hbm>>
        %dma_wait3A_76 = arith.constant 0 : i32
        %dma_wait3A_77 = arith.constant 0 : i32
        %dma_wait3A_78 = tpu.memref_slice %arg4[%dma_wait3A_76, %dma_wait3A_77] : memref<320000x128xf32, #tpu.memory_space<hbm>> -> memref<128x128xf32, #tpu.memory_space<hbm>>
        tpu.wait_dma2 semaphore(%arg23 : memref<!tpu.dma_semaphore, #tpu.memory_space<semaphore_mem>>) src(%dma_wait3A_78 : memref<128x128xf32, #tpu.memory_space<hbm>>) dst(%arg16 : memref<128x128xf32, #tpu.memory_space<vmem>>)
        %dma_start3A_79 = arith.constant 0 : i32
        %dma_start3A_80 = arith.constant 0 : i32
        %dma_start3A_81 = tpu.memref_slice %arg13[%dma_start3A_79, %dma_start3A_80] : memref<10000x128xf32, #tpu.memory_space<vmem_shared>> -> memref<10000x128xf32, #tpu.memory_space<vmem_shared>>
        tpu.enqueue_indirect_dma source(%arg16 : memref<128x128xf32, #tpu.memory_space<vmem>>) target(%dma_start3A_81 : memref<10000x128xf32, #tpu.memory_space<vmem_shared>>) offsets(%arg15 : memref<128xi32, #tpu.memory_space<vmem>>) semaphore(%arg25 : memref<!tpu.dma_semaphore, #tpu.memory_space<semaphore_mem>>) {add = true}
        %dma_start3A_82 = arith.constant 0 : i32
        %dma_start3A_83 = arith.constant 0 : i32
        %dma_start3A_84 = tpu.memref_slice %arg14[%dma_start3A_82, %dma_start3A_83] : memref<10000x16xf32, #tpu.memory_space<vmem_shared>> -> memref<10000x16xf32, #tpu.memory_space<vmem_shared>>
        tpu.enqueue_indirect_dma source(%arg19 : memref<128x16xf32, #tpu.memory_space<vmem>>) target(%dma_start3A_84 : memref<10000x16xf32, #tpu.memory_space<vmem_shared>>) offsets(%arg15 : memref<128xi32, #tpu.memory_space<vmem>>) semaphore(%arg25 : memref<!tpu.dma_semaphore, #tpu.memory_space<semaphore_mem>>) {add = true}
        %gt3A = arith.constant 0 : i32
        %gt3A_85 = arith.cmpi sgt, %scan3A_65, %gt3A : i32
        %convert_element_type3A_86 = arith.extui %gt3A_85 : i1 to i32
        %cond3A_87 = arith.constant 0 : i32
        %cond3A_88 = arith.cmpi ne, %convert_element_type3A_86, %cond3A_87 : i32
        scf.if %cond3A_88 {
          %dma_wait3A_118 = arith.constant 0 : i32
          %dma_wait3A_119 = arith.constant 0 : i32
          %dma_wait3A_120 = tpu.memref_slice %arg13[%dma_wait3A_118, %dma_wait3A_119] : memref<10000x128xf32, #tpu.memory_space<vmem_shared>> -> memref<10000x128xf32, #tpu.memory_space<vmem_shared>>
          tpu.wait_indirect_dma semaphore(%arg26 : memref<!tpu.dma_semaphore, #tpu.memory_space<semaphore_mem>>) src(%arg18 : memref<128x128xf32, #tpu.memory_space<vmem>>) dst(%dma_wait3A_120 : memref<10000x128xf32, #tpu.memory_space<vmem_shared>>)
          %dma_wait3A_121 = arith.constant 0 : i32
          %dma_wait3A_122 = arith.constant 0 : i32
          %dma_wait3A_123 = tpu.memref_slice %arg14[%dma_wait3A_121, %dma_wait3A_122] : memref<10000x16xf32, #tpu.memory_space<vmem_shared>> -> memref<10000x16xf32, #tpu.memory_space<vmem_shared>>
          tpu.wait_indirect_dma semaphore(%arg26 : memref<!tpu.dma_semaphore, #tpu.memory_space<semaphore_mem>>) src(%arg19 : memref<128x16xf32, #tpu.memory_space<vmem>>) dst(%dma_wait3A_123 : memref<10000x16xf32, #tpu.memory_space<vmem_shared>>)
          %add3A_124 = arith.constant 1 : i32
          %add3A_125 = arith.addi %mul3A_68, %add3A_124 : i32
          %mul3A_126 = arith.constant 128 : i32
          %mul3A_127 = arith.muli %add3A_125, %mul3A_126 : i32
          %add3A_128 = arith.addi %mul3A_20, %mul3A_127 : i32
          %multiple_of3A_129 = tpu.assume_multiple %add3A_128, 8 : i32
          %dma_start3A_130 = tpu.memref_slice %arg5[%multiple_of3A_129] : memref<320000xi32, #tpu.memory_space<hbm>> -> memref<128xi32, #tpu.memory_space<hbm>>
          %dma_start3A_131 = tpu.memref_slice %arg5[%multiple_of3A_129] : memref<320000xi32, #tpu.memory_space<hbm>> -> memref<128xi32, #tpu.memory_space<hbm>>
          tpu.enqueue_dma source(%dma_start3A_131 : memref<128xi32, #tpu.memory_space<hbm>>) target(%arg17 : memref<128xi32, #tpu.memory_space<vmem>>) target_semaphore(%arg24 : memref<!tpu.dma_semaphore, #tpu.memory_space<semaphore_mem>>)
          %dma_start3A_132 = arith.constant 0 : i32
          %dma_start3A_133 = tpu.memref_slice %arg4[%multiple_of3A_129, %dma_start3A_132] : memref<320000x128xf32, #tpu.memory_space<hbm>> -> memref<128x128xf32, #tpu.memory_space<hbm>>
          %dma_start3A_134 = arith.constant 0 : i32
          %dma_start3A_135 = tpu.memref_slice %arg4[%multiple_of3A_129, %dma_start3A_134] : memref<320000x128xf32, #tpu.memory_space<hbm>> -> memref<128x128xf32, #tpu.memory_space<hbm>>
          tpu.enqueue_dma source(%dma_start3A_135 : memref<128x128xf32, #tpu.memory_space<hbm>>) target(%arg18 : memref<128x128xf32, #tpu.memory_space<vmem>>) target_semaphore(%arg24 : memref<!tpu.dma_semaphore, #tpu.memory_space<semaphore_mem>>)
        } else {
        }
        %dma_wait3A_89 = arith.constant 0 : i32
        %dma_wait3A_90 = tpu.memref_slice %arg5[%dma_wait3A_89] : memref<320000xi32, #tpu.memory_space<hbm>> -> memref<128xi32, #tpu.memory_space<hbm>>
        %dma_wait3A_91 = arith.constant 0 : i32
        %dma_wait3A_92 = tpu.memref_slice %arg5[%dma_wait3A_91] : memref<320000xi32, #tpu.memory_space<hbm>> -> memref<128xi32, #tpu.memory_space<hbm>>
        tpu.wait_dma2 semaphore(%arg24 : memref<!tpu.dma_semaphore, #tpu.memory_space<semaphore_mem>>) src(%dma_wait3A_92 : memref<128xi32, #tpu.memory_space<hbm>>) dst(%arg17 : memref<128xi32, #tpu.memory_space<vmem>>)
        %dma_wait3A_93 = arith.constant 0 : i32
        %dma_wait3A_94 = arith.constant 0 : i32
        %dma_wait3A_95 = tpu.memref_slice %arg4[%dma_wait3A_93, %dma_wait3A_94] : memref<320000x128xf32, #tpu.memory_space<hbm>> -> memref<128x128xf32, #tpu.memory_space<hbm>>
        %dma_wait3A_96 = arith.constant 0 : i32
        %dma_wait3A_97 = arith.constant 0 : i32
        %dma_wait3A_98 = tpu.memref_slice %arg4[%dma_wait3A_96, %dma_wait3A_97] : memref<320000x128xf32, #tpu.memory_space<hbm>> -> memref<128x128xf32, #tpu.memory_space<hbm>>
        tpu.wait_dma2 semaphore(%arg24 : memref<!tpu.dma_semaphore, #tpu.memory_space<semaphore_mem>>) src(%dma_wait3A_98 : memref<128x128xf32, #tpu.memory_space<hbm>>) dst(%arg18 : memref<128x128xf32, #tpu.memory_space<vmem>>)
        %dma_start3A_99 = arith.constant 0 : i32
        %dma_start3A_100 = arith.constant 0 : i32
        %dma_start3A_101 = tpu.memref_slice %arg13[%dma_start3A_99, %dma_start3A_100] : memref<10000x128xf32, #tpu.memory_space<vmem_shared>> -> memref<10000x128xf32, #tpu.memory_space<vmem_shared>>
        tpu.enqueue_indirect_dma source(%arg18 : memref<128x128xf32, #tpu.memory_space<vmem>>) target(%dma_start3A_101 : memref<10000x128xf32, #tpu.memory_space<vmem_shared>>) offsets(%arg17 : memref<128xi32, #tpu.memory_space<vmem>>) semaphore(%arg26 : memref<!tpu.dma_semaphore, #tpu.memory_space<semaphore_mem>>) {add = true}
        %dma_start3A_102 = arith.constant 0 : i32
        %dma_start3A_103 = arith.constant 0 : i32
        %dma_start3A_104 = tpu.memref_slice %arg14[%dma_start3A_102, %dma_start3A_103] : memref<10000x16xf32, #tpu.memory_space<vmem_shared>> -> memref<10000x16xf32, #tpu.memory_space<vmem_shared>>
        tpu.enqueue_indirect_dma source(%arg19 : memref<128x16xf32, #tpu.memory_space<vmem>>) target(%dma_start3A_104 : memref<10000x16xf32, #tpu.memory_space<vmem_shared>>) offsets(%arg17 : memref<128xi32, #tpu.memory_space<vmem>>) semaphore(%arg26 : memref<!tpu.dma_semaphore, #tpu.memory_space<semaphore_mem>>) {add = true}
        %dma_wait3A_105 = arith.constant 0 : i32
        %dma_wait3A_106 = arith.constant 0 : i32
        %dma_wait3A_107 = tpu.memref_slice %arg13[%dma_wait3A_105, %dma_wait3A_106] : memref<10000x128xf32, #tpu.memory_space<vmem_shared>> -> memref<10000x128xf32, #tpu.memory_space<vmem_shared>>
        tpu.wait_indirect_dma semaphore(%arg25 : memref<!tpu.dma_semaphore, #tpu.memory_space<semaphore_mem>>) src(%arg16 : memref<128x128xf32, #tpu.memory_space<vmem>>) dst(%dma_wait3A_107 : memref<10000x128xf32, #tpu.memory_space<vmem_shared>>)
        %dma_wait3A_108 = arith.constant 0 : i32
        %dma_wait3A_109 = arith.constant 0 : i32
        %dma_wait3A_110 = tpu.memref_slice %arg14[%dma_wait3A_108, %dma_wait3A_109] : memref<10000x16xf32, #tpu.memory_space<vmem_shared>> -> memref<10000x16xf32, #tpu.memory_space<vmem_shared>>
        tpu.wait_indirect_dma semaphore(%arg25 : memref<!tpu.dma_semaphore, #tpu.memory_space<semaphore_mem>>) src(%arg19 : memref<128x16xf32, #tpu.memory_space<vmem>>) dst(%dma_wait3A_110 : memref<10000x16xf32, #tpu.memory_space<vmem_shared>>)
        %add3A_111 = arith.constant 2 : i32
        %add3A_112 = arith.addi %mul3A_68, %add3A_111 : i32
        %lt3A = arith.constant 156 : i32
        %lt3A_113 = arith.cmpi slt, %add3A_112, %lt3A : i32
        %convert_element_type3A_114 = arith.extui %lt3A_113 : i1 to i32
        %cond3A_115 = arith.constant 0 : i32
        %cond3A_116 = arith.cmpi ne, %convert_element_type3A_114, %cond3A_115 : i32
        scf.if %cond3A_116 {
          %add3A_118 = arith.constant 2 : i32
          %add3A_119 = arith.addi %mul3A_68, %add3A_118 : i32
          %mul3A_120 = arith.constant 128 : i32
          %mul3A_121 = arith.muli %add3A_119, %mul3A_120 : i32
          %add3A_122 = arith.addi %mul3A_20, %mul3A_121 : i32
          %multiple_of3A_123 = tpu.assume_multiple %add3A_122, 8 : i32
          %dma_start3A_124 = tpu.memref_slice %arg5[%multiple_of3A_123] : memref<320000xi32, #tpu.memory_space<hbm>> -> memref<128xi32, #tpu.memory_space<hbm>>
          %dma_start3A_125 = tpu.memref_slice %arg5[%multiple_of3A_123] : memref<320000xi32, #tpu.memory_space<hbm>> -> memref<128xi32, #tpu.memory_space<hbm>>
          tpu.enqueue_dma source(%dma_start3A_125 : memref<128xi32, #tpu.memory_space<hbm>>) target(%arg15 : memref<128xi32, #tpu.memory_space<vmem>>) target_semaphore(%arg23 : memref<!tpu.dma_semaphore, #tpu.memory_space<semaphore_mem>>)
          %dma_start3A_126 = arith.constant 0 : i32
          %dma_start3A_127 = tpu.memref_slice %arg4[%multiple_of3A_123, %dma_start3A_126] : memref<320000x128xf32, #tpu.memory_space<hbm>> -> memref<128x128xf32, #tpu.memory_space<hbm>>
          %dma_start3A_128 = arith.constant 0 : i32
          %dma_start3A_129 = tpu.memref_slice %arg4[%multiple_of3A_123, %dma_start3A_128] : memref<320000x128xf32, #tpu.memory_space<hbm>> -> memref<128x128xf32, #tpu.memory_space<hbm>>
          tpu.enqueue_dma source(%dma_start3A_129 : memref<128x128xf32, #tpu.memory_space<hbm>>) target(%arg16 : memref<128x128xf32, #tpu.memory_space<vmem>>) target_semaphore(%arg23 : memref<!tpu.dma_semaphore, #tpu.memory_space<semaphore_mem>>)
        } else {
        }
        %scan3A_117 = arith.constant 0 : i32
        scf.yield %scan3A_117 : i32
      }
      %scan3A_41 = arith.constant 78 : i32
      %add3A_42 = arith.constant 19968 : i32
      %add3A_43 = arith.addi %mul3A_20, %add3A_42 : i32
      %dma_start3A_44 = tpu.memref_slice %arg5[%add3A_43] : memref<320000xi32, #tpu.memory_space<hbm>> -> memref<32xi32, #tpu.memory_space<hbm>>
      %dma_start3A_45 = tpu.memref_slice %arg5[%add3A_43] : memref<320000xi32, #tpu.memory_space<hbm>> -> memref<32xi32, #tpu.memory_space<hbm>>
      tpu.enqueue_dma source(%dma_start3A_45 : memref<32xi32, #tpu.memory_space<hbm>>) target(%arg20 : memref<32xi32, #tpu.memory_space<vmem>>) target_semaphore(%arg23 : memref<!tpu.dma_semaphore, #tpu.memory_space<semaphore_mem>>)
      %dma_start3A_46 = arith.constant 0 : i32
      %dma_start3A_47 = tpu.memref_slice %arg4[%add3A_43, %dma_start3A_46] : memref<320000x128xf32, #tpu.memory_space<hbm>> -> memref<32x128xf32, #tpu.memory_space<hbm>>
      %dma_start3A_48 = arith.constant 0 : i32
      %dma_start3A_49 = tpu.memref_slice %arg4[%add3A_43, %dma_start3A_48] : memref<320000x128xf32, #tpu.memory_space<hbm>> -> memref<32x128xf32, #tpu.memory_space<hbm>>
      tpu.enqueue_dma source(%dma_start3A_49 : memref<32x128xf32, #tpu.memory_space<hbm>>) target(%arg21 : memref<32x128xf32, #tpu.memory_space<vmem>>) target_semaphore(%arg23 : memref<!tpu.dma_semaphore, #tpu.memory_space<semaphore_mem>>)
      %dma_wait3A = arith.constant 0 : i32
      %dma_wait3A_50 = arith.constant 0 : i32
      %dma_wait3A_51 = tpu.memref_slice %arg13[%dma_wait3A, %dma_wait3A_50] : memref<10000x128xf32, #tpu.memory_space<vmem_shared>> -> memref<10000x128xf32, #tpu.memory_space<vmem_shared>>
      tpu.wait_indirect_dma semaphore(%arg26 : memref<!tpu.dma_semaphore, #tpu.memory_space<semaphore_mem>>) src(%arg18 : memref<128x128xf32, #tpu.memory_space<vmem>>) dst(%dma_wait3A_51 : memref<10000x128xf32, #tpu.memory_space<vmem_shared>>)
      %dma_wait3A_52 = arith.constant 0 : i32
      %dma_wait3A_53 = arith.constant 0 : i32
      %dma_wait3A_54 = tpu.memref_slice %arg14[%dma_wait3A_52, %dma_wait3A_53] : memref<10000x16xf32, #tpu.memory_space<vmem_shared>> -> memref<10000x16xf32, #tpu.memory_space<vmem_shared>>
      tpu.wait_indirect_dma semaphore(%arg26 : memref<!tpu.dma_semaphore, #tpu.memory_space<semaphore_mem>>) src(%arg19 : memref<128x16xf32, #tpu.memory_space<vmem>>) dst(%dma_wait3A_54 : memref<10000x16xf32, #tpu.memory_space<vmem_shared>>)
      %dma_wait3A_55 = arith.constant 0 : i32
      %dma_wait3A_56 = tpu.memref_slice %arg5[%dma_wait3A_55] : memref<320000xi32, #tpu.memory_space<hbm>> -> memref<32xi32, #tpu.memory_space<hbm>>
      %dma_wait3A_57 = arith.constant 0 : i32
      %dma_wait3A_58 = tpu.memref_slice %arg5[%dma_wait3A_57] : memref<320000xi32, #tpu.memory_space<hbm>> -> memref<32xi32, #tpu.memory_space<hbm>>
      tpu.wait_dma2 semaphore(%arg23 : memref<!tpu.dma_semaphore, #tpu.memory_space<semaphore_mem>>) src(%dma_wait3A_58 : memref<32xi32, #tpu.memory_space<hbm>>) dst(%arg20 : memref<32xi32, #tpu.memory_space<vmem>>)
      %dma_wait3A_59 = arith.constant 0 : i32
      %dma_wait3A_60 = arith.constant 0 : i32
      %dma_wait3A_61 = tpu.memref_slice %arg4[%dma_wait3A_59, %dma_wait3A_60] : memref<320000x128xf32, #tpu.memory_space<hbm>> -> memref<32x128xf32, #tpu.memory_space<hbm>>
      %dma_wait3A_62 = arith.constant 0 : i32
      %dma_wait3A_63 = arith.constant 0 : i32
      %dma_wait3A_64 = tpu.memref_slice %arg4[%dma_wait3A_62, %dma_wait3A_63] : memref<320000x128xf32, #tpu.memory_space<hbm>> -> memref<32x128xf32, #tpu.memory_space<hbm>>
      tpu.wait_dma2 semaphore(%arg23 : memref<!tpu.dma_semaphore, #tpu.memory_space<semaphore_mem>>) src(%dma_wait3A_64 : memref<32x128xf32, #tpu.memory_space<hbm>>) dst(%arg21 : memref<32x128xf32, #tpu.memory_space<vmem>>)
      "tpu.region"() ({
        %run_scoped3A = tpu.sem_alloc : memref<!tpu.dma_semaphore, #tpu.memory_space<semaphore_mem>>
        %dma_start3A_65 = arith.constant 0 : i32
        %dma_start3A_66 = arith.constant 0 : i32
        %dma_start3A_67 = tpu.memref_slice %arg13[%dma_start3A_65, %dma_start3A_66] : memref<10000x128xf32, #tpu.memory_space<vmem_shared>> -> memref<10000x128xf32, #tpu.memory_space<vmem_shared>>
        tpu.enqueue_indirect_dma source(%arg21 : memref<32x128xf32, #tpu.memory_space<vmem>>) target(%dma_start3A_67 : memref<10000x128xf32, #tpu.memory_space<vmem_shared>>) offsets(%arg20 : memref<32xi32, #tpu.memory_space<vmem>>) semaphore(%run_scoped3A : memref<!tpu.dma_semaphore, #tpu.memory_space<semaphore_mem>>) {add = true}
        %dma_wait3A_68 = arith.constant 0 : i32
        %dma_wait3A_69 = arith.constant 0 : i32
        %dma_wait3A_70 = tpu.memref_slice %arg13[%dma_wait3A_68, %dma_wait3A_69] : memref<10000x128xf32, #tpu.memory_space<vmem_shared>> -> memref<10000x128xf32, #tpu.memory_space<vmem_shared>>
        tpu.wait_indirect_dma semaphore(%run_scoped3A : memref<!tpu.dma_semaphore, #tpu.memory_space<semaphore_mem>>) src(%arg21 : memref<32x128xf32, #tpu.memory_space<vmem>>) dst(%dma_wait3A_70 : memref<10000x128xf32, #tpu.memory_space<vmem_shared>>)
        tpu.yield
      }) : () -> ()
      "tpu.region"() ({
        %run_scoped3A = tpu.sem_alloc : memref<!tpu.dma_semaphore, #tpu.memory_space<semaphore_mem>>
        %dma_start3A_65 = arith.constant 0 : i32
        %dma_start3A_66 = arith.constant 0 : i32
        %dma_start3A_67 = tpu.memref_slice %arg14[%dma_start3A_65, %dma_start3A_66] : memref<10000x16xf32, #tpu.memory_space<vmem_shared>> -> memref<10000x16xf32, #tpu.memory_space<vmem_shared>>
        tpu.enqueue_indirect_dma source(%arg22 : memref<32x16xf32, #tpu.memory_space<vmem>>) target(%dma_start3A_67 : memref<10000x16xf32, #tpu.memory_space<vmem_shared>>) offsets(%arg20 : memref<32xi32, #tpu.memory_space<vmem>>) semaphore(%run_scoped3A : memref<!tpu.dma_semaphore, #tpu.memory_space<semaphore_mem>>) {add = true}
        %dma_wait3A_68 = arith.constant 0 : i32
        %dma_wait3A_69 = arith.constant 0 : i32
        %dma_wait3A_70 = tpu.memref_slice %arg14[%dma_wait3A_68, %dma_wait3A_69] : memref<10000x16xf32, #tpu.memory_space<vmem_shared>> -> memref<10000x16xf32, #tpu.memory_space<vmem_shared>>
        tpu.wait_indirect_dma semaphore(%run_scoped3A : memref<!tpu.dma_semaphore, #tpu.memory_space<semaphore_mem>>) src(%arg22 : memref<32x16xf32, #tpu.memory_space<vmem>>) dst(%dma_wait3A_70 : memref<10000x16xf32, #tpu.memory_space<vmem_shared>>)
        tpu.yield
      }) : () -> ()
    } else {
    }
    %barrier3A_8 = arith.constant 0 : index
    tpu.barrier barrier_id(%barrier3A_8)
    %eq3A_9 = arith.constant 0 : i32
    %eq3A_10 = arith.cmpi eq, %arg0, %eq3A_9 : i32
    %convert_element_type3A_11 = arith.extui %eq3A_10 : i1 to i32
    %cond3A_12 = arith.constant 0 : i32
    %cond3A_13 = arith.cmpi ne, %convert_element_type3A_11, %cond3A_12 : i32
    scf.if %cond3A_13 {
      "tpu.region"() ({
        %run_scoped3A = tpu.sem_alloc : memref<!tpu.dma_semaphore, #tpu.memory_space<semaphore_mem>>
        %dma_start3A = arith.constant 0 : i32
        %dma_start3A_19 = tpu.memref_slice %arg9[%mul3A_0, %dma_start3A] : memref<10000x128xf32, #tpu.memory_space<hbm>> -> memref<625x128xf32, #tpu.memory_space<hbm>>
        %dma_start3A_20 = arith.constant 0 : i32
        %dma_start3A_21 = tpu.memref_slice %arg13[%mul3A_0, %dma_start3A_20] : memref<10000x128xf32, #tpu.memory_space<vmem_shared>> -> memref<625x128xf32, #tpu.memory_space<vmem_shared>>
        tpu.enqueue_dma source(%dma_start3A_21 : memref<625x128xf32, #tpu.memory_space<vmem_shared>>) target(%dma_start3A_19 : memref<625x128xf32, #tpu.memory_space<hbm>>) target_semaphore(%run_scoped3A : memref<!tpu.dma_semaphore, #tpu.memory_space<semaphore_mem>>)
        %dma_wait3A = arith.constant 0 : i32
        %dma_wait3A_22 = tpu.memref_slice %arg9[%mul3A_0, %dma_wait3A] : memref<10000x128xf32, #tpu.memory_space<hbm>> -> memref<625x128xf32, #tpu.memory_space<hbm>>
        %dma_wait3A_23 = arith.constant 0 : i32
        %dma_wait3A_24 = tpu.memref_slice %arg13[%mul3A_0, %dma_wait3A_23] : memref<10000x128xf32, #tpu.memory_space<vmem_shared>> -> memref<625x128xf32, #tpu.memory_space<vmem_shared>>
        tpu.wait_dma2 semaphore(%run_scoped3A : memref<!tpu.dma_semaphore, #tpu.memory_space<semaphore_mem>>) src(%dma_wait3A_24 : memref<625x128xf32, #tpu.memory_space<vmem_shared>>) dst(%dma_wait3A_22 : memref<625x128xf32, #tpu.memory_space<hbm>>)
        tpu.yield
      }) : () -> ()
      "tpu.region"() ({
        %run_scoped3A = tpu.sem_alloc : memref<!tpu.dma_semaphore, #tpu.memory_space<semaphore_mem>>
        %dma_start3A = arith.constant 0 : i32
        %dma_start3A_19 = tpu.memref_slice %arg10[%mul3A_0, %dma_start3A] : memref<10000x16xf32, #tpu.memory_space<hbm>> -> memref<625x16xf32, #tpu.memory_space<hbm>>
        %dma_start3A_20 = arith.constant 0 : i32
        %dma_start3A_21 = tpu.memref_slice %arg14[%mul3A_0, %dma_start3A_20] : memref<10000x16xf32, #tpu.memory_space<vmem_shared>> -> memref<625x16xf32, #tpu.memory_space<vmem_shared>>
        tpu.enqueue_dma source(%dma_start3A_21 : memref<625x16xf32, #tpu.memory_space<vmem_shared>>) target(%dma_start3A_19 : memref<625x16xf32, #tpu.memory_space<hbm>>) target_semaphore(%run_scoped3A : memref<!tpu.dma_semaphore, #tpu.memory_space<semaphore_mem>>)
        %dma_wait3A = arith.constant 0 : i32
        %dma_wait3A_22 = tpu.memref_slice %arg10[%mul3A_0, %dma_wait3A] : memref<10000x16xf32, #tpu.memory_space<hbm>> -> memref<625x16xf32, #tpu.memory_space<hbm>>
        %dma_wait3A_23 = arith.constant 0 : i32
        %dma_wait3A_24 = tpu.memref_slice %arg14[%mul3A_0, %dma_wait3A_23] : memref<10000x16xf32, #tpu.memory_space<vmem_shared>> -> memref<625x16xf32, #tpu.memory_space<vmem_shared>>
        tpu.wait_dma2 semaphore(%run_scoped3A : memref<!tpu.dma_semaphore, #tpu.memory_space<semaphore_mem>>) src(%dma_wait3A_24 : memref<625x16xf32, #tpu.memory_space<vmem_shared>>) dst(%dma_wait3A_22 : memref<625x16xf32, #tpu.memory_space<hbm>>)
        tpu.yield
      }) : () -> ()
    } else {
    }
    %eq3A_14 = arith.constant 1 : i32
    %eq3A_15 = arith.cmpi eq, %arg0, %eq3A_14 : i32
    %convert_element_type3A_16 = arith.extui %eq3A_15 : i1 to i32
    %cond3A_17 = arith.constant 0 : i32
    %cond3A_18 = arith.cmpi ne, %convert_element_type3A_16, %cond3A_17 : i32
    scf.if %cond3A_18 {
      "tpu.region"() ({
        %run_scoped3A = tpu.sem_alloc : memref<!tpu.dma_semaphore, #tpu.memory_space<semaphore_mem>>
        %dma_start3A = arith.constant 0 : i32
        %dma_start3A_19 = tpu.memref_slice %arg11[%mul3A_0, %dma_start3A] : memref<10000x128xf32, #tpu.memory_space<hbm>> -> memref<625x128xf32, #tpu.memory_space<hbm>>
        %dma_start3A_20 = arith.constant 0 : i32
        %dma_start3A_21 = tpu.memref_slice %arg13[%mul3A_0, %dma_start3A_20] : memref<10000x128xf32, #tpu.memory_space<vmem_shared>> -> memref<625x128xf32, #tpu.memory_space<vmem_shared>>
        tpu.enqueue_dma source(%dma_start3A_21 : memref<625x128xf32, #tpu.memory_space<vmem_shared>>) target(%dma_start3A_19 : memref<625x128xf32, #tpu.memory_space<hbm>>) target_semaphore(%run_scoped3A : memref<!tpu.dma_semaphore, #tpu.memory_space<semaphore_mem>>)
        %dma_wait3A = arith.constant 0 : i32
        %dma_wait3A_22 = tpu.memref_slice %arg11[%mul3A_0, %dma_wait3A] : memref<10000x128xf32, #tpu.memory_space<hbm>> -> memref<625x128xf32, #tpu.memory_space<hbm>>
        %dma_wait3A_23 = arith.constant 0 : i32
        %dma_wait3A_24 = tpu.memref_slice %arg13[%mul3A_0, %dma_wait3A_23] : memref<10000x128xf32, #tpu.memory_space<vmem_shared>> -> memref<625x128xf32, #tpu.memory_space<vmem_shared>>
        tpu.wait_dma2 semaphore(%run_scoped3A : memref<!tpu.dma_semaphore, #tpu.memory_space<semaphore_mem>>) src(%dma_wait3A_24 : memref<625x128xf32, #tpu.memory_space<vmem_shared>>) dst(%dma_wait3A_22 : memref<625x128xf32, #tpu.memory_space<hbm>>)
        tpu.yield
      }) : () -> ()
      "tpu.region"() ({
        %run_scoped3A = tpu.sem_alloc : memref<!tpu.dma_semaphore, #tpu.memory_space<semaphore_mem>>
        %dma_start3A = arith.constant 0 : i32
        %dma_start3A_19 = tpu.memref_slice %arg12[%mul3A_0, %dma_start3A] : memref<10000x16xf32, #tpu.memory_space<hbm>> -> memref<625x16xf32, #tpu.memory_space<hbm>>
        %dma_start3A_20 = arith.constant 0 : i32
        %dma_start3A_21 = tpu.memref_slice %arg14[%mul3A_0, %dma_start3A_20] : memref<10000x16xf32, #tpu.memory_space<vmem_shared>> -> memref<625x16xf32, #tpu.memory_space<vmem_shared>>
        tpu.enqueue_dma source(%dma_start3A_21 : memref<625x16xf32, #tpu.memory_space<vmem_shared>>) target(%dma_start3A_19 : memref<625x16xf32, #tpu.memory_space<hbm>>) target_semaphore(%run_scoped3A : memref<!tpu.dma_semaphore, #tpu.memory_space<semaphore_mem>>)
        %dma_wait3A = arith.constant 0 : i32
        %dma_wait3A_22 = tpu.memref_slice %arg12[%mul3A_0, %dma_wait3A] : memref<10000x16xf32, #tpu.memory_space<hbm>> -> memref<625x16xf32, #tpu.memory_space<hbm>>
        %dma_wait3A_23 = arith.constant 0 : i32
        %dma_wait3A_24 = tpu.memref_slice %arg14[%mul3A_0, %dma_wait3A_23] : memref<10000x16xf32, #tpu.memory_space<vmem_shared>> -> memref<625x16xf32, #tpu.memory_space<vmem_shared>>
        tpu.wait_dma2 semaphore(%run_scoped3A : memref<!tpu.dma_semaphore, #tpu.memory_space<semaphore_mem>>) src(%dma_wait3A_24 : memref<625x16xf32, #tpu.memory_space<vmem_shared>>) dst(%dma_wait3A_22 : memref<625x16xf32, #tpu.memory_space<hbm>>)
        tpu.yield
      }) : () -> ()
    } else {
    }
    return
  }
}

module attributes {stable_mosaic.version = 14 : i64} {
  func.func @_combine_body(%arg0: i32, %arg1: memref<1000x128xf32, #tpu.memory_space<vmem>>, %arg2: memref<1000x16xf32, #tpu.memory_space<vmem>>, %arg3: memref<1000x128xf32, #tpu.memory_space<vmem>>, %arg4: memref<1000x16xf32, #tpu.memory_space<vmem>>, %arg5: memref<1000x128xf32, #tpu.memory_space<vmem>>) attributes {dimension_semantics = [#tpu.dimension_semantics<arbitrary>], iteration_bounds = array<i64: 10>, scalar_prefetch = 0 : i64, scratch_operands = 0 : i64, tpu.core_type = #tpu.core_type<tc>, window_params = [{transform_indices = @transform_0, window_bounds = array<i64: 1000, 128>}, {transform_indices = @transform_1, window_bounds = array<i64: 1000, 16>}, {transform_indices = @transform_2, window_bounds = array<i64: 1000, 128>}, {transform_indices = @transform_3, window_bounds = array<i64: 1000, 16>}, {transform_indices = @transform_4, window_bounds = array<i64: 1000, 128>}]} {
    %get3A = arith.constant 0 : index
    %get3A_0 = arith.constant 0 : index
    %get3A_1 = vector.load %arg2[%get3A, %get3A_0] : memref<1000x16xf32, #tpu.memory_space<vmem>>, vector<1000x1xf32>
    %max3A = arith.constant 1.000000e+00 : f32
    %max3A_2 = vector.broadcast %max3A : f32 to vector<1000x1xf32>
    %max3A_3 = arith.maximumf %get3A_1, %max3A_2 : vector<1000x1xf32>
    %get3A_4 = arith.constant 0 : index
    %get3A_5 = arith.constant 0 : index
    %get3A_6 = vector.load %arg4[%get3A_4, %get3A_5] : memref<1000x16xf32, #tpu.memory_space<vmem>>, vector<1000x1xf32>
    %max3A_7 = arith.constant 1.000000e+00 : f32
    %max3A_8 = vector.broadcast %max3A_7 : f32 to vector<1000x1xf32>
    %max3A_9 = arith.maximumf %get3A_6, %max3A_8 : vector<1000x1xf32>
    %get3A_10 = arith.constant 0 : index
    %get3A_11 = arith.constant 0 : index
    %get3A_12 = vector.load %arg1[%get3A_10, %get3A_11] : memref<1000x128xf32, #tpu.memory_space<vmem>>, vector<1000x128xf32>
    %div3A = vector.broadcast %max3A_3 : vector<1000x1xf32> to vector<1000x128xf32>
    %div3A_13 = arith.divf %get3A_12, %div3A : vector<1000x128xf32>
    %get3A_14 = arith.constant 0 : index
    %get3A_15 = arith.constant 0 : index
    %get3A_16 = vector.load %arg3[%get3A_14, %get3A_15] : memref<1000x128xf32, #tpu.memory_space<vmem>>, vector<1000x128xf32>
    %div3A_17 = vector.broadcast %max3A_9 : vector<1000x1xf32> to vector<1000x128xf32>
    %div3A_18 = arith.divf %get3A_16, %div3A_17 : vector<1000x128xf32>
    %add3A = arith.addf %div3A_13, %div3A_18 : vector<1000x128xf32>
    %swap3A = arith.constant 0 : index
    %swap3A_19 = arith.constant 0 : index
    %swap3A_20 = vector.load %arg5[%swap3A, %swap3A_19] : memref<1000x128xf32, #tpu.memory_space<vmem>>, vector<1000x128xf32>
    tpu.vector_store %arg5[%swap3A, %swap3A_19], %add3A {strides = array<i32>} : memref<1000x128xf32, #tpu.memory_space<vmem>>, vector<1000x128xf32>,
    return
  }
  func.func @transform_0(%arg0: i32) -> (i32, i32) {
    %c0_i32 = arith.constant 0 : i32
    %c0_i32_0 = arith.constant 0 : i32
    return %arg0, %c0_i32 : i32, i32
  }
  func.func @transform_1(%arg0: i32) -> (i32, i32) {
    %c0_i32 = arith.constant 0 : i32
    %c0_i32_0 = arith.constant 0 : i32
    return %arg0, %c0_i32 : i32, i32
  }
  func.func @transform_2(%arg0: i32) -> (i32, i32) {
    %c0_i32 = arith.constant 0 : i32
    %c0_i32_0 = arith.constant 0 : i32
    return %arg0, %c0_i32 : i32, i32
  }
  func.func @transform_3(%arg0: i32) -> (i32, i32) {
    %c0_i32 = arith.constant 0 : i32
    %c0_i32_0 = arith.constant 0 : i32
    return %arg0, %c0_i32 : i32, i32
  }
  func.func @transform_4(%arg0: i32) -> (i32, i32) {
    %c0_i32 = arith.constant 0 : i32
    %c0_i32_0 = arith.constant 0 : i32
    return %arg0, %c0_i32 : i32, i32
  }
}

</mosaic_0001>

<sc_bundles>
// kernel: kernel.4.cloned.1.call-start
scs
__scs_entry_jumppad:
0x0: {  	(pc) =	sbr.rel $0x88, $3  }
0x1: {  	(tag) =	ssettag $0x0;
	lr =	simm.s32 $0x1  }
0x2: {  	[smem:$0x3F9D] =	sst lr;
	_ =	strace $0xD0000000  }
0x3: {  	_ = 	snop  }
0x4: {  	_ = 	snop  }
0x5: {  	_ = 	snop  }
0x6: {  	_ = 	snop  }
0x7: {  	_ = 	snop  }
__scs_overlays_trampoline_lowered:
0x8: {  	[smem:$0x3FAC] =	sst s0  }
0x9: {  	[smem:$0x3FAD] =	sst s1  }
0xa: {  	[smem:$0x3FAE] =	sst s2  }
0xb: {  	[smem:$0x3FAF] =	sst s3  }
0xc: {  	[smem:$0x3FB0] =	sst s4  }
0xd: {  	[smem:$0x3FB1] =	sst s5  }
0xe: {  	[smem:$0x3FB2] =	sst s6  }
0xf: {  	[smem:$0x3FB3] =	sst s7  }
0x10: {  	[smem:$0x3FB4] =	sst s8  }
0x11: {  	[smem:$0x3FB5] =	sst s9;
	s0 =	simm.s32 @!p0 $0x0  }
0x12: {  	s1 =	sld [smem:$0x3F9B];
	s0 =	simm.s32 @p0 $0x1  }
0x13: {  	[smem:$0x3FB6] =	sst s0;
	s0 =	simm.s32 @!p1 $0x0  }
0x14: {  	s2 =	sld [smem:$0x3F9A];
	s0 =	simm.s32 @p1 $0x1  }
0x15: {  	[smem:$0x3FB7] =	sst s0;
	s0 =	simm.s32 @!p2 $0x0  }
0x16: {  	s3 =	sld [smem:$0x3FDB];
	s0 =	simm.s32 @p2 $0x1  }
0x17: {  	s4 =	simm.s32 $0x1BF5;
	[smem:$0x3FB9] =	sst s0  }
0x18: {  	s0 =	sld [smem:$0x3F9C];
	_ =	swait.ge [sflag:s4], $0x0  }
0x19: {  	s7 =	sld [smem:$0x3F9D]  }
0x1a: {  	s8 =	sadd.s32 $0xFFFFE003, lr  }
0x1b: {  	s9 =	sadd.s32 $0xFFFFFEF7, lr;
	s5 =	simm.s32 $0xFFFFFFFF;
	p2 =	slt.u32 s8, $0xFFFFF086  }
0x1c: {  	p1 =	slt.u32 s9, $0xF7A;
	s5 =	simm.s32 @!p2 $0x0  }
0x1d: {  	s5 =	simm.s32 @p1 $0x1;
	p0 =	seq.s32 s7, s2  }
0x1e: {  	s7 =	smul.u32 @!p0 $0xF7A, s2;
	p2 =	seq.s32 @!p0 s5, $0x0  }
0x1f: {  	s9 =	smul.u32 $0xF7A, s1;
	s8 =	simm.s32 @!p0 $0x1BF5;
	p2 =	por !p2, p0  }
0x20: {  	[sflag:s8] =	ssyncset.s32 @!p0 $0xFFFFF086;
	s6 =	sadd.s32 @!p0 s3, s7;
	s7 =	simm.s32 @!p0 $0x108  }
0x21: {  	s3 =	sadd.s32 s3, s9;
	s6 =	sadd.s32 @!p0 $0x88, s6;
	s7 =	simm.s32 @p2 $0x1082  }
0x22: {  	[simem:s7], [sflag:s8] =	dma.local @!p0 [hbm:s6], $0xF7A  }
0x23: {  	s9 =	sor.u32 $0xD0000000, s2;
	s6 =	simm.s32 $0x108;
	_ =	swait.ge @!p0 [sflag:s8], $0x0  }
0x24: {  	s3 =	sadd.s32 $0x88, s3;
	s6 =	simm.s32 @!p1 $0x1082;
	[sflag:s4] =	ssyncset.s32 $0xFFFFF086  }
0x25: {  	[simem:s6], [sflag:s4] =	dma.local [hbm:s3], $0xF7A  }
0x26: {  	[smem:$0x3F9D] =	sst s1;
	(tag) =	ssettag s2;
	_ =	strace s9  }
0x27: {  	s1 =	sld [smem:$0x3FAD]  }
0x28: {  	s2 =	sld [smem:$0x3FAE]  }
0x29: {  	s4 =	sld [smem:$0x3FB0]  }
0x2a: {  	p0 =	seq.s32 s5, $0x0;
	s5 =	sld [smem:$0x3FB1]  }
0x2b: {  	s6 =	sld [smem:$0x3FB2]  }
0x2c: {  	s7 =	sld [smem:$0x3FB3]  }
0x2d: {  	s3 =	simm.s32 $0x108;
	s8 =	sld [smem:$0x3FB4]  }
0x2e: {  	s3 =	simm.s32 @!p0 $0x1082;
	s9 =	sld [smem:$0x3FB5]  }
0x2f: {  	lr =	sadd.s32 s0, s3;
	s0 =	sld [smem:$0x3FAC]  }
0x30: {  	s3 =	sld [smem:$0x3FAF]  }
0x31: {  	[smem:$0x3FB8] =	sst s10  }
0x32: {  	s10 =	sld [smem:$0x3FB6];
	_ =	sdelay $0x3  }
0x33: {  	p0 =	seq.s32 s10, $0x1;
	s10 =	sld [smem:$0x3FB8];
	_ =	sdelay $0x3  }
0x34: {  	[smem:$0x3FB8] =	sst s10  }
0x35: {  	s10 =	sld [smem:$0x3FB7];
	_ =	sdelay $0x3  }
0x36: {  	p1 =	seq.s32 s10, $0x1;
	s10 =	sld [smem:$0x3FB8];
	_ =	sdelay $0x3  }
0x37: {  	[smem:$0x3FB8] =	sst s10  }
0x38: {  	s10 =	sld [smem:$0x3FB9]  }
0x39: {  	_ = 	snop;
	(pc) =	sbr.ind lr, $3  }
0x3a: {  	_ = 	snop  }
0x3b: {  	_ = 	snop  }
0x3c: {  	p2 =	seq.s32 s10, $0x1;
	s10 =	sld [smem:$0x3FB8]  }
0x3d: {  	_ =	shalt  }
0x3e: {  	_ =	shalt  }
0x3f: {  	_ =	shalt  }
0x40: {  	_ =	shalt  }
0x41: {  	_ =	shalt  }
0x42: {  	_ =	shalt  }
0x43: {  	_ =	shalt  }
0x44: {  	_ =	shalt  }
0x45: {  	_ =	shalt  }
0x46: {  	_ =	shalt  }
0x47: {  	_ =	shalt  }
0x48: {  	_ =	shalt  }
0x49: {  	_ =	shalt  }
0x4a: {  	_ =	shalt  }
0x4b: {  	_ =	shalt  }
0x4c: {  	_ =	shalt  }
0x4d: {  	_ =	shalt  }
0x4e: {  	_ =	shalt  }
0x4f: {  	_ =	shalt  }
0x50: {  	_ =	shalt  }
0x51: {  	_ =	shalt  }
0x52: {  	_ =	shalt  }
0x53: {  	_ =	shalt  }
0x54: {  	_ =	shalt  }
0x55: {  	_ =	shalt  }
0x56: {  	_ =	shalt  }
0x57: {  	_ =	shalt  }
0x58: {  	_ =	shalt  }
0x59: {  	_ =	shalt  }
0x5a: {  	_ =	shalt  }
0x5b: {  	_ =	shalt  }
0x5c: {  	_ =	shalt  }
0x5d: {  	_ =	shalt  }
0x5e: {  	_ =	shalt  }
0x5f: {  	_ =	shalt  }
0x60: {  	_ =	shalt  }
0x61: {  	_ =	shalt  }
0x62: {  	_ =	shalt  }
0x63: {  	_ =	shalt  }
0x64: {  	_ =	shalt  }
0x65: {  	_ =	shalt  }
0x66: {  	_ =	shalt  }
0x67: {  	_ =	shalt  }
0x68: {  	_ =	shalt  }
0x69: {  	_ =	shalt  }
0x6a: {  	_ =	shalt  }
0x6b: {  	_ =	shalt  }
0x6c: {  	_ =	shalt  }
0x6d: {  	_ =	shalt  }
0x6e: {  	_ =	shalt  }
0x6f: {  	_ =	shalt  }
0x70: {  	_ =	shalt  }
0x71: {  	_ =	shalt  }
0x72: {  	_ =	shalt  }
0x73: {  	_ =	shalt  }
0x74: {  	_ =	shalt  }
0x75: {  	_ =	shalt  }
0x76: {  	_ =	shalt  }
0x77: {  	_ =	shalt  }
0x78: {  	_ =	shalt  }
0x79: {  	_ =	shalt  }
0x7a: {  	_ =	shalt  }
0x7b: {  	_ =	shalt  }
0x7c: {  	_ =	shalt  }
0x7d: {  	_ =	shalt  }
0x7e: {  	_ =	shalt  }
0x7f: {  	_ =	shalt  }
0x80: {  	_ =	shalt  }
0x81: {  	_ =	shalt  }
0x82: {  	_ =	shalt  }
0x83: {  	_ =	shalt  }
0x84: {  	_ =	shalt  }
0x85: {  	_ =	shalt  }
0x86: {  	_ =	shalt  }
0x87: {  	_ =	shalt  }
.Lfunc_end0:
.L_simem_size_0:
called_computation_lowered:
.L_overlay_start_0:
0x88: {  	s2 =	sld [smem:$0x3FD9]  }
0x89: {  	s3 =	sld [smem:$0x3FFE];
	_ =	sdelay $0x1  }
0x8a: {  	s1 =	srdreg.scid  }
0x8b: {  	s0 =	sand.u32 $0x1, s1  }
0x8c: {  	s17 =	sshll.u32 s0, $0xA;
	s2 =	sadd.s32 s3, s2  }
0x8d: {  	s2 =	sadd.s32 s2, s17  }
0x8e: {  	[smem:$0x3FC4] =	sst s2  }
0x8f: {  	_ = 	snop  }
0x90: {  	s2 =	sld [smem:$0x3FC9]  }
0x91: {  	s18 =	sld [smem:$0x3FC8]  }
0x92: {  	s4 =	sld [smem:$0x3FD0];
	(tm) =	ssettm $0x1  }
0x93: {  	s5 =	sld [smem:$0x3FFB];
	_ =	sdelay $0x3  }
0x94: {  	_ =	strace s5  }
0x95: {  	s5 =	sld [smem:$0x3FFC];
	_ =	sdelay $0x3  }
0x96: {  	_ =	strace s5  }
0x97: {  	s5 =	sld [smem:$0x3FFD];
	_ =	sdelay $0x3  }
0x98: {  	_ =	strace s5  }
0x99: {  	_ =	strace $0x8FFFFFFF  }
0x9a: {  	s19 =	sld [smem:$0x3FDB];
	_ =	sdelay $0x1  }
0x9b: {  	s6 =	simm.s32 $_scs_section_size  }
0x9c: {  	s7 =	simm.s32 $_size__tile_overlayer_lowered;
	s8 =	simm.s32 $_tile_overlayer_lowered  }
0x9d: {  	s22 =	simm.s32 $0x1BFF;
	s21 =	sshll.u32 s8, $0x1;
	s5 =	sadd.s32 s6, s19  }
0x9e: {  	s9 =	simm.s32 $0x0;
	s20 =	sshll.u32 s7, $0x1;
	s7 =	sadd.s32 s21, s5  }
0x9f: {  	[timem:s9], [sflag:s22] =	dma.local [hbm:s7], s20  }
0xa0: {  	_ =	swait.ge [sflag:s22], s20  }
0xa1: {  	s6 =	ssub.s32 $0x0, s20;
	[sflag:s22] =	ssyncset.done $0x0  }
0xa2: {  	[sflag:s22] =	ssyncadd.s32 s6;
	_ =	sdelay $0x1  }
0xa3: {  	s23 =	simm.s32 $0x1B8B  }
0xa4: {  	_ =	swait.ge [sflag:s23], $0x1  }
0xa5: {  	[sflag:s23] =	ssyncset.done $0x0  }
0xa6: {  	s25 =	simm.s32 $0x1B8E;
	s24 =	sld [smem:$0x3FFE];
	[sflag:s23] =	ssyncadd.s32 $0xFFFFFFFF  }
0xa7: {  	s26 =	simm.s32 $execute0_lowered;
	[smem:$0x3FD2] =	sst s25  }
0xa8: {  	s7 =	sshll.u32 s26, $0x1;
	_ =	strace $0x80000046;
	[dreg:$0x1] =	wrdreg $0xFFFFFFFF  }
0xa9: {  	s28 =	simm.s32 $_size_execute0_lowered;
	s5 =	sadd.s32 s5, s7;
	[dreg:$0x0] =	wrdreg $0x0  }
0xaa: {  	s7 =	sshll.u32 s28, $0x1;
	[dreg:$0x2] =	wrdreg s5  }
0xab: {  	[dreg:$0x3] =	wrdreg s7  }
0xac: {  	[dreg:$0x4] =	wrdreg $0xC0  }
0xad: {  	_ =	task [dreg:s9], $0x5FFFF  }
0xae: {  	[dreg:$0x1] =	wrdreg $0xFFFFFFFF  }
0xaf: {  	[dreg:$0x0] =	wrdreg $0x60  }
0xb0: {  	[dreg:$0x2] =	wrdreg s2  }
0xb1: {  	[dreg:$0x3] =	wrdreg s24  }
0xb2: {  	[dreg:$0x4] =	wrdreg s18  }
0xb3: {  	[dreg:$0x5] =	wrdreg s4  }
0xb4: {  	[dreg:$0x6] =	wrdreg $0x0  }
0xb5: {  	[dreg:$0x7] =	wrdreg $0x138800  }
0xb6: {  	[dreg:$0x8] =	wrdreg $0x9  }
0xb7: {  	_ =	task.clear_ibuf [dreg:s9], $0x9FFFF;
	_ =	strace $0x90000046  }
0xb8: {  	s29 =	simm.s32 $0x9;
	_ =	strace $0x80000048  }
0xb9: {  	_ =	swait.ge [sflag:s29], $0x1  }
0xba: {  	[sflag:s29] =	ssyncadd.s32 $0xFFFFFFFF  }
0xbb: {  	_ =	strace $0x90000048  }
0xbc: {  	_ =	sfence  }
0xbd: {  	s30 =	sld [smem:$0x0];
	_ =	sdelay $0x2  }
0xbe: {  	s31 =	sshll.u32 s1, $0xD;
	s1 =	sshrl.u32 s1, $0x2  }
0xbf: {  	s3 =	sand.u32 $0x4000, s31;
	s1 =	sadd.s32 s1, s30  }
0xc0: {  	s0 =	sor.u32 s3, s0;
	s1 =	sshll.u32 s1, $0x11  }
0xc1: {  	s0 =	sor.u32 s1, s0  }
0xc2: {  	s0 =	sadd.s32 $0x8F2B, s0  }
0xc3: {  	[sflag:s0] =	ssyncadd.remote.s32 $0x1  }
0xc4: {  	_ =	sfence.sel $0xFFFF  }
0xc5: {  	[dreg:$0x0] =	wrdreg $0xFFFFFFFF;
	(pc) =	sbr.abs _section_cstart, $3  }
0xc6: {  	[dreg:$0x1] =	wrdreg $0xFFFFFFFF  }
0xc7: {  	_ =	task.clear_ibuf [dreg:s9], $0x2FFFF;
	_ =	strace $0x9FFFFFFF  }
0xc8: {  	(tm) =	ssettm $0x7FFFFFFF  }
0xc9: {  	_ =	shalt  }
tec
execute0_lowered:
.L_overlay_start_1:
0x0: {  	(tag) =	ssettag $0x1  }
0x1: {  	s12 =	rddreg [dreg:$0x0]  }
0x2: {  	s0 =	rddreg [dreg:$0x1]  }
0x3: {  	s13 =	rddreg [dreg:$0x2]  }
0x4: {  	s1 =	rddreg [dreg:$0x3]  }
0x5: {  	s4 =	rddreg [dreg:$0x4]  }
0x6: {  	s5 =	rddreg [dreg:$0x5];
	s6 =	simm.s32 $0x0;
	s14 =	stileid.u32  }
0x7: {  	s3 =	srdreg.scid;
	s28 =	simm.s32 $0x15F90;
	s29 =	simm.s32 $0x16010  }
0x8: {  	s30 =	simm.s32 $0x1A010;
	s31 =	simm.s32 $0x1A090;
	[smem:$0x7FF] =	sst s6  }
0x9: {  	s2 =	smul.u32 $0x2710, s14;
	s15 =	sadd.s32 $0x600, s0;
	s16 =	sadd.s32 $0xA400, s0  }
0xa: {  	s3 =	sand.u32 $0x1, s3;
	s10 =	sadd.s32 $0x14200, s0;
	s8 =	sadd.s32 $0x4A600, s0  }
0xb: {  	s9 =	sadd.s32 $0x19400, s0;
	_ =	strace $0x80000047;
	[dreg:$0xa] =	wrdreg s8  }
0xc: {  	s11 =	smul.u32 $0x13880, s14;
	s17 =	sadd.s32 $0x23400, s0;
	[dreg:$0xb] =	wrdreg s9  }
0xd: {  	s25 =	sshll.u32 s14, $0x6;
	s26 =	smul.u32 $0x4E20, s14;
	[dreg:$0xc] =	wrdreg s17  }
0xe: {  	s20 =	smul.u32 $0x4E200, s14;
	s22 =	ssub.s32 $0x2, s3;
	[dreg:$0x9] =	wrdreg s16  }
0xf: {  	s18 =	sor.u32 $0x1C05, s25;
	p0 =	sne.s32 s3, $0x0;
	[dreg:$0x7] =	wrdreg s15  }
0x10: {  	s7 =	sshrl.u32 s2, $0x3;
	s23 =	sshrl.u32 s22, $0x1;
	s24 =	sshrl.u32 s11, $0x3  }
0x11: {  	s11 =	sadd.s32 s11, s4;
	s2 =	sadd.s32 s2, s5;
	[dreg:$0x8] =	wrdreg s7  }
0x12: {  	s17 =	sshrl.u32 s26, $0x3;
	s21 =	sadd.s32 $0x4E00, s26;
	[dreg:$0xf] =	wrdreg s11  }
0x13: {  	s9 =	sadd.s32 $0x100, s26;
	s25 =	sadd.s32 s13, s20;
	[dreg:$0xe] =	wrdreg s24  }
0x14: {  	s7 =	sadd.s32 s7, s0;
	s0 =	sadd.s32 $0x1E400, s0;
	[dreg:$0x11] =	wrdreg s2  }
0x15: {  	s1 =	sadd.s32 s1, s24;
	s11 =	sadd.s32 $0x80, s26;
	[dreg:$0xd] =	wrdreg s0  }
0x16: {  	s2 =	sadd.s32 s15, s17;
	s26 =	sadd.s32 s12, s20;
	[dreg:$0x10] =	wrdreg s1  }
0x17: {  	s0 =	ssub.s32 s22, s23;
	s8 =	sadd.s32 $0x14400, s7;
	[dreg:$0x16] =	wrdreg s2  }
0x18: {  	s19 =	sshrl.u32 s11, $0x3;
	s22 =	sshrl.u32 s21, $0x3;
	[dreg:$0x12] =	wrdreg s8  }
0x19: {  	s1 =	sshll.u32 s11, $0x4;
	s23 =	sadd.s32 s16, s17;
	[dreg:$0x13] =	wrdreg s22  }
0x1a: {  	s11 =	sshll.u32 s9, $0x4;
	s8 =	sshll.u32 s21, $0x4;
	[dreg:$0x15] =	wrdreg s23  }
0x1b: {  	s17 =	smul.u32 $0x9C4, s14;
	s24 =	sadd.s32 s16, s19;
	[dreg:$0x14] =	wrdreg s8  }
0x1c: {  	s14 =	simm.s32 $0x5;
	s3 =	sadd.s32 s15, s19;
	[dreg:$0x17] =	wrdreg s24  }
0x1d: {  	s2 =	simm.s32 $0x2;
	s7 =	sadd.s32 s13, s1;
	[dreg:$0x18] =	wrdreg s3  }
0x1e: {  	s1 =	sadd.s32 s12, s1;
	s0 =	smax.u32 s0, $0x1;
	[dreg:$0x19] =	wrdreg s7  }
0x1f: {  	s20 =	sadd.s32 s13, s11;
	s21 =	sadd.s32 s12, s11;
	[dreg:$0x1a] =	wrdreg s1  }
0x20: {  	s11 =	simm.s32 $0x3;
	s12 =	simm.s32 $0x4;
	[dreg:$0x1d] =	wrdreg s20  }
0x21: {  	s13 =	simm.s32 $0x1E890;
	s8 =	sshrl.u32 s9, $0x3;
	[dreg:$0x1e] =	wrdreg s21  }
0x22: {  	s22 =	sadd.s32 s17, s16;
	s23 =	sadd.s32 s17, s15;
	s3 =	simm.s32 $0x1  }
.Ltmp0:
0x23: {  	s7 =	simm.s32 $0x1E8B0;
	s19 =	sadd.s32 s16, s8;
	(pc) =	sbr.rel .LBB2_1-.Ltmp0, $4  }
0x24: {  	s9 =	simm.s32 $0x20;
	s1 =	sadd.s32 s15, s8;
	[dreg:$0x1b] =	wrdreg s19  }
0x25: {  	s24 =	sadd.s32 $0x40, s23;
	s23 =	simm.s32 $0x1E090;
	[dreg:$0x1c] =	wrdreg s1  }
0x26: {  	s8 =	simm.s32 $0x0;
	s1 =	sadd.s32 $0x40, s22;
	[smem:$0x7FD] =	sst s24  }
0x27: {  	s24 =	simm.s32 $0x1F8B0;
	[dreg:$0x1f] =	wrdreg s1;
	s1 =	simm.s32 $0x80  }
.LBB2_8:
0x28: {  	s15 =	rddreg [dreg:$0x9]  }
0x29: {  	s21 =	rddreg [dreg:$0x2]  }
0x2a: {  	s20 =	rddreg [dreg:$0xc]  }
0x2b: {  	s19 =	rddreg [dreg:$0xd]  }
.LBB2_9:
0x2c: {  	s22 =	rddreg [dreg:$0x13]  }
0x2d: {  	s15 =	sadd.s32 s15, s22;
	s22 =	rddreg [dreg:$0x14]  }
0x2e: {  	[tilespmem:s13], [sflag:$0x1] =	stream.linear.gather [hbm4b:s15+s6], $0x20, $0x38;
	[tilespmem:$0x1FAB0] =	vst v63  }
0x2f: {  	s15 =	sadd.s32 s21, s22  }
0x30: {  	[tilespmem:s7], [sflag:$0x1] =	stream.linear.gather [hbm4b:s15+s6], $0x1000, $0x38;
	[tilespmem:$0x1FAB0] =	vst v63  }
0x31: {  	_ =	swait.ge [sflag:s12], $0x4000  }
0x32: {  	[sflag:s12] =	ssyncset.done $0x0  }
0x33: {  	[sflag:s12] =	ssyncadd.s32 $0xFFFFC000  }
0x34: {  	_ =	swait.ge [sflag:s12], $0x800  }
0x35: {  	[sflag:s12] =	ssyncset.done $0x0  }
0x36: {  	[sflag:s12] =	ssyncadd.s32 $0xFFFFF800  }
0x37: {  	_ =	swait.ge [sflag:s3], $0x20  }
0x38: {  	[sflag:s3] =	ssyncset.done $0x0  }
0x39: {  	[sflag:s3] =	ssyncadd.s32 $0xFFFFFFE0  }
0x3a: {  	_ =	swait.ge [sflag:s3], $0x1000  }
0x3b: {  	[sflag:s3] =	ssyncset.done $0x0  }
0x3c: {  	[sflag:s3] =	ssyncadd.s32 $0xFFFFF000  }
0x3d: {  	[spmem:s4] =	stream.indirect.scatter.add.f32 [tilespmem:s7], [sflag:$0x5], $0x80, s13, s9, $0xb8;
	[tilespmem:$0x1FAB0] =	vst v63  }
0x3e: {  	_ =	swait.ge [sflag:s14], $0x1000  }
0x3f: {  	[sflag:s14] =	ssyncset.done $0x0  }
0x40: {  	[sflag:s14] =	ssyncadd.s32 $0xFFFFF000  }
0x41: {  	[spmem:s5] =	stream.indirect.scatter.add.f32 [tilespmem:s24], [sflag:$0x5], $0x10, s13, s9, $0xb8;
	[tilespmem:$0x1FAB0] =	vst v63  }
0x42: {  	_ =	swait.ge [sflag:s14], $0x200  }
0x43: {  	[sflag:s14] =	ssyncset.done $0x0  }
0x44: {  	s21 =	rddreg [dreg:$0xe];
	[sflag:s14] =	ssyncadd.s32 $0xFFFFFE00  }
0x45: {  	s15 =	sadd.s32 s20, s21;
	[bflag:$0x0] =	sbarrier.arrive $0xFFFF  }
0x46: {  	[hbm:s15], [sflag:s18] =	dma.local [spmem:s16], $0x2710  }
0x47: {  	s8 =	sadd.s32 $0x1, s8;
	_ =	swait.ge [sflag:s14], $0x2710  }
0x48: {  	p1 =	sne.s32 s8, s0;
	[sflag:s14] =	ssyncset.done $0x0;
	s22 =	rddreg [dreg:$0x8]  }
.Ltmp1:
0x49: {  	s15 =	sadd.s32 s19, s22;
	[sflag:s14] =	ssyncadd.s32 $0xFFFFD8F0;
	(pc) =	sbr.rel @!p1 .LBB2_10-.Ltmp1, $4  }
0x4a: {  	[hbm:s15], [sflag:s18] =	dma.local [spmem:s17], $0x4E2  }
0x4b: {  	_ =	swait.ge [sflag:s14], $0x4E2  }
0x4c: {  	[sflag:s14] =	ssyncset.done $0x0  }
0x4d: {  	[sflag:s14] =	ssyncadd.s32 $0xFFFFFB1E  }
.LBB2_1:
0x4e: {  	s15 =	rddreg [dreg:$0xf]  }
0x4f: {  	s20 =	rddreg [dreg:$0x10];
	s16 =	sshrl.u32 s15, $0x3  }
0x50: {  	[spmem:s16], [sflag:s18] =	dma.local [hbm:s20], $0x2710  }
0x51: {  	_ =	swait.ge [sflag:s14], $0x2710  }
0x52: {  	[sflag:s14] =	ssyncset.done $0x0;
	s21 =	rddreg [dreg:$0x11]  }
0x53: {  	s22 =	rddreg [dreg:$0x12];
	[sflag:s14] =	ssyncadd.s32 $0xFFFFD8F0;
	s17 =	sshrl.u32 s21, $0x3  }
0x54: {  	[spmem:s17], [sflag:s18] =	dma.local [hbm:s22], $0x4E2  }
0x55: {  	_ =	swait.ge [sflag:s14], $0x4E2  }
0x56: {  	[sflag:s14] =	ssyncset.done $0x0  }
0x57: {  	[sflag:s14] =	ssyncadd.s32 $0xFFFFFB1E  }
0x58: {  	[tilespmem:s23], [sflag:$0x5] =	stream.linear.gather [hbm4b:s10+s6], $0x800, $0x38;
	[tilespmem:$0x1FAB0] =	vst v63  }
0x59: {  	_ =	swait.ge [sflag:s14], $0x800  }
0x5a: {  	[sflag:s14] =	ssyncset.done $0x0  }
0x5b: {  	[sflag:s14] =	ssyncadd.s32 $0xFFFFF800  }
0x5c: {  	[tilespmem:s24], [sflag:$0x5] =	stream.linear.gather [hbm4b:s10+s6], $0x200, $0x38;
	[tilespmem:$0x1FAB0] =	vst v63  }
.Ltmp2:
0x5d: {  	_ =	swait.ge [sflag:s14], $0x200;
	(pc) =	sbr.rel @p0 .LBB2_6-.Ltmp2, $4  }
0x5e: {  	[sflag:s14] =	ssyncset.done $0x0  }
0x5f: {  	[sflag:s14] =	ssyncadd.s32 $0xFFFFFE00  }
0x60: {  	[bflag:$0x0] =	sbarrier.arrive $0xFFFF  }
0x61: {  	s19 =	simm.s32 $0x0  }
0x62: {  	s15 =	rddreg [dreg:$0x16]  }
0x63: {  	[tilespmem:s28], [sflag:$0x1] =	stream.linear.gather [hbm4b:s15+s19], $0x80, $0x38;
	[tilespmem:$0x1FAB0] =	vst v63  }
0x64: {  	_ = 	snop  }
0x65: {  	[tilespmem:s29], [sflag:$0x1] =	stream.linear.gather [hbm4b:s26+s19], $0x4000, $0x38;
	[tilespmem:$0x1FAB0] =	vst v63  }
0x66: {  	s22 =	rddreg [dreg:$0x18]  }
0x67: {  	[tilespmem:s30], [sflag:$0x2] =	stream.linear.gather [hbm4b:s22+s19], $0x80, $0x38;
	[tilespmem:$0x1FAB0] =	vst v63  }
0x68: {  	s20 =	rddreg [dreg:$0x1a]  }
0x69: {  	[tilespmem:s31], [sflag:$0x2] =	stream.linear.gather [hbm4b:s20+s19], $0x4000, $0x38;
	[tilespmem:$0x1FAB0] =	vst v63  }
0x6a: {  	_ =	swait.ge [sflag:s3], $0x80  }
0x6b: {  	[sflag:s3] =	ssyncset.done $0x0  }
0x6c: {  	[sflag:s3] =	ssyncadd.s32 $0xFFFFFF80  }
0x6d: {  	_ =	swait.ge [sflag:s3], $0x4000  }
0x6e: {  	[sflag:s3] =	ssyncset.done $0x0  }
0x6f: {  	[sflag:s3] =	ssyncadd.s32 $0xFFFFC000  }
0x70: {  	[spmem:s4] =	stream.indirect.scatter.add.f32 [tilespmem:s29], [sflag:$0x3], $0x80, s28, s1, $0xb8;
	[tilespmem:$0x1FAB0] =	vst v63  }
0x71: {  	_ = 	snop  }
0x72: {  	[spmem:s5] =	stream.indirect.scatter.add.f32 [tilespmem:s23], [sflag:$0x3], $0x10, s28, s1, $0xb8;
	[tilespmem:$0x1FAB0] =	vst v63  }
0x73: {  	_ =	swait.ge [sflag:s2], $0x80  }
0x74: {  	[sflag:s2] =	ssyncset.done $0x0  }
0x75: {  	[sflag:s2] =	ssyncadd.s32 $0xFFFFFF80  }
0x76: {  	_ =	swait.ge [sflag:s2], $0x4000  }
0x77: {  	[sflag:s2] =	ssyncset.done $0x0  }
0x78: {  	[sflag:s2] =	ssyncadd.s32 $0xFFFFC000  }
0x79: {  	[spmem:s4] =	stream.indirect.scatter.add.f32 [tilespmem:s31], [sflag:$0x4], $0x80, s30, s1, $0xb8;
	[tilespmem:$0x1FAB0] =	vst v63  }
0x7a: {  	_ = 	snop  }
0x7b: {  	[spmem:s5] =	stream.indirect.scatter.add.f32 [tilespmem:s23], [sflag:$0x4], $0x10, s30, s1, $0xb8;
	[tilespmem:$0x1FAB0] =	vst v63  }
0x7c: {  	_ =	swait.ge [sflag:s11], $0x4000  }
0x7d: {  	[sflag:s11] =	ssyncset.done $0x0  }
0x7e: {  	[sflag:s11] =	ssyncadd.s32 $0xFFFFC000  }
0x7f: {  	_ =	swait.ge [sflag:s11], $0x800  }
0x80: {  	[sflag:s11] =	ssyncset.done $0x0;
	s21 =	rddreg [dreg:$0x1c]  }
0x81: {  	s22 =	rddreg [dreg:$0x1e];
	[sflag:s11] =	ssyncadd.s32 $0xFFFFF800  }
0x82: {  	[tilespmem:s28], [sflag:$0x1] =	stream.linear.gather [hbm4b:s21+s19], $0x80, $0x38;
	[tilespmem:$0x1FAB0] =	vst v63  }
0x83: {  	s20 =	sld [smem:$0x7FD]  }
0x84: {  	[tilespmem:s29], [sflag:$0x1] =	stream.linear.gather [hbm4b:s22+s19], $0x4000, $0x38;
	[tilespmem:$0x1FAB0] =	vst v63  }
.LBB2_3:
0x85: {  	_ =	swait.ge [sflag:s3], $0x80  }
0x86: {  	[sflag:s3] =	ssyncset.done $0x0  }
0x87: {  	[sflag:s3] =	ssyncadd.s32 $0xFFFFFF80  }
0x88: {  	_ =	swait.ge [sflag:s3], $0x4000  }
0x89: {  	[sflag:s3] =	ssyncset.done $0x0  }
0x8a: {  	[sflag:s3] =	ssyncadd.s32 $0xFFFFC000  }
0x8b: {  	[spmem:s4] =	stream.indirect.scatter.add.f32 [tilespmem:s29], [sflag:$0x3], $0x80, s28, s1, $0xb8;
	[tilespmem:$0x1FAB0] =	vst v63  }
0x8c: {  	_ = 	snop  }
0x8d: {  	[spmem:s5] =	stream.indirect.scatter.add.f32 [tilespmem:s23], [sflag:$0x3], $0x10, s28, s1, $0xb8;
	[tilespmem:$0x1FAB0] =	vst v63  }
0x8e: {  	_ =	swait.ge [sflag:s12], $0x4000  }
0x8f: {  	[sflag:s12] =	ssyncset.done $0x0  }
0x90: {  	[sflag:s12] =	ssyncadd.s32 $0xFFFFC000  }
0x91: {  	_ =	swait.ge [sflag:s12], $0x800  }
0x92: {  	[sflag:s12] =	ssyncset.done $0x0  }
0x93: {  	s15 =	sadd.s32 $0xFFFFFFF0, s20;
	[sflag:s12] =	ssyncadd.s32 $0xFFFFF800  }
0x94: {  	[tilespmem:s30], [sflag:$0x2] =	stream.linear.gather [hbm4b:s15+s6], $0x80, $0x38;
	[tilespmem:$0x1FAB0] =	vst v63  }
0x95: {  	s15 =	sadd.s32 s19, s26  }
0x96: {  	s21 =	sadd.s32 $0x1800, s15  }
0x97: {  	[tilespmem:s31], [sflag:$0x2] =	stream.linear.gather [hbm4b:s21+s6], $0x4000, $0x38;
	[tilespmem:$0x1FAB0] =	vst v63  }
0x98: {  	_ =	swait.ge [sflag:s2], $0x80  }
0x99: {  	[sflag:s2] =	ssyncset.done $0x0  }
0x9a: {  	[sflag:s2] =	ssyncadd.s32 $0xFFFFFF80  }
0x9b: {  	_ =	swait.ge [sflag:s2], $0x4000  }
0x9c: {  	[sflag:s2] =	ssyncset.done $0x0  }
0x9d: {  	[sflag:s2] =	ssyncadd.s32 $0xFFFFC000  }
0x9e: {  	[spmem:s4] =	stream.indirect.scatter.add.f32 [tilespmem:s31], [sflag:$0x4], $0x80, s30, s1, $0xb8;
	[tilespmem:$0x1FAB0] =	vst v63  }
0x9f: {  	_ = 	snop  }
0xa0: {  	[spmem:s5] =	stream.indirect.scatter.add.f32 [tilespmem:s23], [sflag:$0x4], $0x10, s30, s1, $0xb8;
	[tilespmem:$0x1FAB0] =	vst v63  }
0xa1: {  	p1 =	seq.s32 s19, $0x4C000;
	_ =	swait.ge [sflag:s11], $0x4000  }
.Ltmp3:
0xa2: {  	[sflag:s11] =	ssyncset.done $0x0;
	(pc) =	sbr.rel @p1 .LBB2_4-.Ltmp3, $4  }
0xa3: {  	[sflag:s11] =	ssyncadd.s32 $0xFFFFC000  }
0xa4: {  	_ =	swait.ge [sflag:s11], $0x800  }
0xa5: {  	[sflag:s11] =	ssyncset.done $0x0  }
0xa6: {  	[sflag:s11] =	ssyncadd.s32 $0xFFFFF800  }
.Ltmp4:
0xa7: {  	(pc) =	sbr.rel .LBB2_3-.Ltmp4, $4  }
0xa8: {  	_ = 	snop  }
0xa9: {  	[tilespmem:s28], [sflag:$0x1] =	stream.linear.gather [hbm4b:s20+s6], $0x80, $0x38;
	[tilespmem:$0x1FAB0] =	vst v63  }
0xaa: {  	s15 =	sadd.s32 $0x2000, s15;
	s19 =	sadd.s32 $0x1000, s19;
	s20 =	sadd.s32 $0x20, s20  }
0xab: {  	[tilespmem:s29], [sflag:$0x1] =	stream.linear.gather [hbm4b:s15+s6], $0x4000, $0x38;
	[tilespmem:$0x1FAB0] =	vst v63  }
.LBB2_6:
0xac: {  	s15 =	rddreg [dreg:$0x15]  }
0xad: {  	[tilespmem:s28], [sflag:$0x1] =	stream.linear.gather [hbm4b:s15+s19], $0x80, $0x38;
	[tilespmem:$0x1FAB0] =	vst v63  }
0xae: {  	_ = 	snop  }
0xaf: {  	[tilespmem:s29], [sflag:$0x1] =	stream.linear.gather [hbm4b:s25+s19], $0x4000, $0x38;
	[tilespmem:$0x1FAB0] =	vst v63  }
0xb0: {  	s22 =	rddreg [dreg:$0x17]  }
0xb1: {  	[tilespmem:s30], [sflag:$0x2] =	stream.linear.gather [hbm4b:s22+s19], $0x80, $0x38;
	[tilespmem:$0x1FAB0] =	vst v63  }
0xb2: {  	s20 =	rddreg [dreg:$0x19]  }
0xb3: {  	[tilespmem:s31], [sflag:$0x2] =	stream.linear.gather [hbm4b:s20+s19], $0x4000, $0x38;
	[tilespmem:$0x1FAB0] =	vst v63  }
0xb4: {  	_ =	swait.ge [sflag:s3], $0x80  }
0xb5: {  	[sflag:s3] =	ssyncset.done $0x0  }
0xb6: {  	[sflag:s3] =	ssyncadd.s32 $0xFFFFFF80  }
0xb7: {  	_ =	swait.ge [sflag:s3], $0x4000  }
0xb8: {  	[sflag:s3] =	ssyncset.done $0x0  }
0xb9: {  	[sflag:s3] =	ssyncadd.s32 $0xFFFFC000  }
0xba: {  	[spmem:s4] =	stream.indirect.scatter.add.f32 [tilespmem:s29], [sflag:$0x3], $0x80, s28, s1, $0xb8;
	[tilespmem:$0x1FAB0] =	vst v63  }
0xbb: {  	_ = 	snop  }
0xbc: {  	[spmem:s5] =	stream.indirect.scatter.add.f32 [tilespmem:s23], [sflag:$0x3], $0x10, s28, s1, $0xb8;
	[tilespmem:$0x1FAB0] =	vst v63  }
0xbd: {  	_ =	swait.ge [sflag:s2], $0x80  }
0xbe: {  	[sflag:s2] =	ssyncset.done $0x0  }
0xbf: {  	[sflag:s2] =	ssyncadd.s32 $0xFFFFFF80  }
0xc0: {  	_ =	swait.ge [sflag:s2], $0x4000  }
0xc1: {  	[sflag:s2] =	ssyncset.done $0x0  }
0xc2: {  	[sflag:s2] =	ssyncadd.s32 $0xFFFFC000  }
0xc3: {  	[spmem:s4] =	stream.indirect.scatter.add.f32 [tilespmem:s31], [sflag:$0x4], $0x80, s30, s1, $0xb8;
	[tilespmem:$0x1FAB0] =	vst v63  }
0xc4: {  	_ = 	snop  }
0xc5: {  	[spmem:s5] =	stream.indirect.scatter.add.f32 [tilespmem:s23], [sflag:$0x4], $0x10, s30, s1, $0xb8;
	[tilespmem:$0x1FAB0] =	vst v63  }
0xc6: {  	_ =	swait.ge [sflag:s11], $0x4000  }
0xc7: {  	[sflag:s11] =	ssyncset.done $0x0  }
0xc8: {  	[sflag:s11] =	ssyncadd.s32 $0xFFFFC000  }
0xc9: {  	_ =	swait.ge [sflag:s11], $0x800  }
0xca: {  	[sflag:s11] =	ssyncset.done $0x0;
	s21 =	rddreg [dreg:$0x1b]  }
0xcb: {  	s22 =	rddreg [dreg:$0x1d];
	[sflag:s11] =	ssyncadd.s32 $0xFFFFF800  }
0xcc: {  	[tilespmem:s28], [sflag:$0x1] =	stream.linear.gather [hbm4b:s21+s19], $0x80, $0x38;
	[tilespmem:$0x1FAB0] =	vst v63  }
0xcd: {  	s20 =	rddreg [dreg:$0x1f]  }
0xce: {  	[tilespmem:s29], [sflag:$0x1] =	stream.linear.gather [hbm4b:s22+s19], $0x4000, $0x38;
	[tilespmem:$0x1FAB0] =	vst v63  }
.LBB2_7:
0xcf: {  	_ =	swait.ge [sflag:s3], $0x80  }
0xd0: {  	[sflag:s3] =	ssyncset.done $0x0  }
0xd1: {  	[sflag:s3] =	ssyncadd.s32 $0xFFFFFF80  }
0xd2: {  	_ =	swait.ge [sflag:s3], $0x4000  }
0xd3: {  	[sflag:s3] =	ssyncset.done $0x0  }
0xd4: {  	[sflag:s3] =	ssyncadd.s32 $0xFFFFC000  }
0xd5: {  	[spmem:s4] =	stream.indirect.scatter.add.f32 [tilespmem:s29], [sflag:$0x3], $0x80, s28, s1, $0xb8;
	[tilespmem:$0x1FAB0] =	vst v63  }
0xd6: {  	_ = 	snop  }
0xd7: {  	[spmem:s5] =	stream.indirect.scatter.add.f32 [tilespmem:s23], [sflag:$0x3], $0x10, s28, s1, $0xb8;
	[tilespmem:$0x1FAB0] =	vst v63  }
0xd8: {  	_ =	swait.ge [sflag:s12], $0x4000  }
0xd9: {  	[sflag:s12] =	ssyncset.done $0x0  }
0xda: {  	[sflag:s12] =	ssyncadd.s32 $0xFFFFC000  }
0xdb: {  	_ =	swait.ge [sflag:s12], $0x800  }
0xdc: {  	[sflag:s12] =	ssyncset.done $0x0  }
0xdd: {  	s15 =	sadd.s32 $0xFFFFFFF0, s20;
	[sflag:s12] =	ssyncadd.s32 $0xFFFFF800  }
0xde: {  	[tilespmem:s30], [sflag:$0x2] =	stream.linear.gather [hbm4b:s15+s6], $0x80, $0x38;
	[tilespmem:$0x1FAB0] =	vst v63  }
0xdf: {  	s15 =	sadd.s32 s19, s25  }
0xe0: {  	s21 =	sadd.s32 $0x1800, s15  }
0xe1: {  	[tilespmem:s31], [sflag:$0x2] =	stream.linear.gather [hbm4b:s21+s6], $0x4000, $0x38;
	[tilespmem:$0x1FAB0] =	vst v63  }
0xe2: {  	_ =	swait.ge [sflag:s2], $0x80  }
0xe3: {  	[sflag:s2] =	ssyncset.done $0x0  }
0xe4: {  	[sflag:s2] =	ssyncadd.s32 $0xFFFFFF80  }
0xe5: {  	_ =	swait.ge [sflag:s2], $0x4000  }
0xe6: {  	[sflag:s2] =	ssyncset.done $0x0  }
0xe7: {  	[sflag:s2] =	ssyncadd.s32 $0xFFFFC000  }
0xe8: {  	[spmem:s4] =	stream.indirect.scatter.add.f32 [tilespmem:s31], [sflag:$0x4], $0x80, s30, s1, $0xb8;
	[tilespmem:$0x1FAB0] =	vst v63  }
0xe9: {  	_ = 	snop  }
0xea: {  	[spmem:s5] =	stream.indirect.scatter.add.f32 [tilespmem:s23], [sflag:$0x4], $0x10, s30, s1, $0xb8;
	[tilespmem:$0x1FAB0] =	vst v63  }
0xeb: {  	p1 =	seq.s32 s19, $0x4C000;
	_ =	swait.ge [sflag:s11], $0x4000  }
.Ltmp5:
0xec: {  	[sflag:s11] =	ssyncset.done $0x0;
	(pc) =	sbr.rel @p1 .LBB2_8-.Ltmp5, $4  }
0xed: {  	[sflag:s11] =	ssyncadd.s32 $0xFFFFC000  }
0xee: {  	_ =	swait.ge [sflag:s11], $0x800  }
0xef: {  	[sflag:s11] =	ssyncset.done $0x0  }
0xf0: {  	[sflag:s11] =	ssyncadd.s32 $0xFFFFF800  }
.Ltmp6:
0xf1: {  	(pc) =	sbr.rel .LBB2_7-.Ltmp6, $4  }
0xf2: {  	_ = 	snop  }
0xf3: {  	[tilespmem:s28], [sflag:$0x1] =	stream.linear.gather [hbm4b:s20+s6], $0x80, $0x38;
	[tilespmem:$0x1FAB0] =	vst v63  }
0xf4: {  	s15 =	sadd.s32 $0x2000, s15;
	s19 =	sadd.s32 $0x1000, s19;
	s20 =	sadd.s32 $0x20, s20  }
0xf5: {  	[tilespmem:s29], [sflag:$0x1] =	stream.linear.gather [hbm4b:s15+s6], $0x4000, $0x38;
	[tilespmem:$0x1FAB0] =	vst v63  }
.LBB2_4:
.Ltmp7:
0xf6: {  	(pc) =	sbr.rel .LBB2_9-.Ltmp7, $4  }
0xf7: {  	s15 =	rddreg [dreg:$0x7]  }
0xf8: {  	s21 =	rddreg [dreg:$0x0]  }
0xf9: {  	s20 =	rddreg [dreg:$0xa]  }
0xfa: {  	s19 =	rddreg [dreg:$0xb]  }
.LBB2_10:
0xfb: {  	_ =	sfence.sel $0x180000  }
0xfc: {  	[bflag:$0x0] =	sbarrier.arrive $0xFFFF  }
0xfd: {  	_ =	strace $0x90000047  }
0xfe: {  	s0 =	stileid.u32;
	[bflag:$0x2] =	sbarrier.arrive $0xFFFF  }
0xff: {  	p0 =	sne.s32 s0, $0x0;
	s0 =	rddreg [dreg:$0x6]  }
0x100: {  	s0 =	sadd.s32 @!p0 $0x100000, s0  }
0x101: {  	[sflag:s0] =	ssyncadd.tile.s32 @!p0 $0x1;
	_ =	shalt  }
.Lfunc_end2:
_tile_overlayer_lowered:
.L_overlay_start_2:
0x102: {  	(tag) =	ssettag $0x2  }
0x103: {  	s0 =	rddreg [dreg:$0x0];
	s2 =	stileid.u32  }
0x104: {  	s1 =	rddreg [dreg:$0x1];
	p0 =	sne.s32 s2, $0x0  }
0x105: {  	s3 =	rddreg [dreg:$0x2];
	[bflag:$0x3] =	sbarrier.arrive $0xFFFF;
	s2 =	simm.s32 @!p0 $0x1C05  }
0x106: {  	[timem:s3], [sflag:s2] =	dma.local @!p0 [hbm:s0], s1  }
0x107: {  	s0 =	simm.s32 @!p0 $0x5  }
0x108: {  	_ =	swait.ge @!p0 [sflag:s0], s1  }
0x109: {  	s1 =	ssub.s32 @!p0 $0x0, s1;
	[sflag:s0] =	ssyncset.done @!p0 $0x0  }
0x10a: {  	[sflag:s0] =	ssyncadd.s32 @!p0 s1  }
0x10b: {  	[bflag:$0x3] =	sbarrier.arrive $0xFFFF  }
0x10c: {  	_ =	shalt  }

</sc_bundles>
